<compile_context>
chip_gen: v7x
topology: tpu7x:2x2x1
jax: 0.10.2.dev20260603
libtpu: 0.0.44.dev20260713+nightly
codegen_flags: <defaults>
</compile_context>

<pallas_src>
import functools

import jax
import jax.numpy as jnp
from jax import lax
from jax.experimental import pallas as pl
from jax.experimental.pallas import tpu as pltpu
from jax.experimental.pallas import tpu_sc as plsc

NUM_EXPERTS = 8
HIDDEN = 1024

_NC = 2
_NS = 16
_L = 16
_NW = _NC * _NS

_BLK = 4096


def _logits_body(x_ref, w_ref, out_ref):
    lg = lax.dot_general(
        w_ref[...], x_ref[...],
        dimension_numbers=(((1,), (1,)), ((), ())),
        preferred_element_type=jnp.float32,
    )
    out_ref[...] = lg.reshape(NUM_EXPERTS, _BLK // 128, 128).transpose(1, 0, 2)


def _tc_logits(x, w, n_chunk, tok0):
    grid = n_chunk // _BLK
    blk0 = tok0 // _BLK
    return pl.pallas_call(
        _logits_body,
        grid=(grid,),
        in_specs=[
            pl.BlockSpec((_BLK, HIDDEN), lambda i: (blk0 + i, 0)),
            pl.BlockSpec((NUM_EXPERTS, HIDDEN), lambda i: (0, 0)),
        ],
        out_specs=pl.BlockSpec(
            (_BLK // 128, NUM_EXPERTS, 128), lambda i: (i, 0, 0)
        ),
        out_shape=jax.ShapeDtypeStruct(
            (n_chunk // 128, NUM_EXPERTS, 128), jnp.float32
        ),
        compiler_params=pltpu.CompilerParams(
            dimension_semantics=("arbitrary",),
        ),
    )(x, w)


def _stable_sigmoid(x):
    e = jnp.exp(-jnp.abs(x))
    return jnp.where(x >= 0, 1.0 / (1.0 + e), e / (1.0 + e))


def _make_router(n_tokens):
    t_per_w = n_tokens // _NW
    mesh = plsc.VectorSubcoreMesh(
        core_axis_name="c", subcore_axis_name="s",
        num_cores=_NC, num_subcores=_NS,
    )

    @functools.partial(
        pl.kernel,
        out_type=jax.ShapeDtypeStruct((NUM_EXPERTS, n_tokens), jnp.float32),
        mesh=mesh,
        compiler_params=pltpu.CompilerParams(
            needs_layout_passes=False, use_tc_tiling_on_sc=False,
        ),
        scratch_types=[
            pltpu.VMEM((t_per_w // 128, NUM_EXPERTS, 128), jnp.float32),
            pltpu.VMEM((4 * t_per_w,), jnp.float32),
            pltpu.SemaphoreType.DMA,
        ],
    )
    def router(logits_hbm, img_hbm, l_v, img_v, sem):
        wid = lax.axis_index("s") * _NC + lax.axis_index("c")
        base = wid * t_per_w
        pltpu.sync_copy(
            logits_hbm.at[pl.ds(base // 128, t_per_w // 128)], l_v
        )

        neg_inf = jnp.float32(float("-inf"))
        zeros = jnp.zeros((_L,), jnp.int32)

        def one_group(j, sub):
            o = sub * _L
            lv = [
                l_v[j, e, pl.ds(o, _L)]
                for e in range(NUM_EXPERTS)
            ]
            m1 = lv[0]
            for e in range(1, NUM_EXPERTS):
                m1 = jnp.maximum(m1, lv[e])
            i1 = zeros
            for e in reversed(range(NUM_EXPERTS)):
                i1 = jnp.where(lv[e] == m1, e, i1)
            lm = [
                jnp.where(i1 == e, neg_inf, lv[e])
                for e in range(NUM_EXPERTS)
            ]
            m2 = lm[0]
            for e in range(1, NUM_EXPERTS):
                m2 = jnp.maximum(m2, lm[e])
            i2 = zeros
            for e in reversed(range(NUM_EXPERTS)):
                i2 = jnp.where(lm[e] == m2, e, i2)
            s1 = _stable_sigmoid(m1)
            s2 = _stable_sigmoid(m2)
            denom = s1 + s2
            go = j * 128 + o
            img_v[pl.ds(go, _L)] = s1 / denom
            img_v[pl.ds(t_per_w + go, _L)] = s2 / denom
            img_v[pl.ds(2 * t_per_w + go, _L)] = i1.astype(jnp.float32)
            img_v[pl.ds(3 * t_per_w + go, _L)] = i2.astype(jnp.float32)

        def body(j, carry):
            for sub in range(8):
                one_group(j, sub)
            return carry

        lax.fori_loop(0, t_per_w // 128, body, 0)
        out_copies = [
            pltpu.async_copy(
                img_v.at[pl.ds(r * t_per_w, t_per_w)],
                img_hbm.at[r, pl.ds(base, t_per_w)],
                sem,
            )
            for r in range(4)
        ]
        for c in out_copies:
            c.wait()

    return router


def kernel(hidden_states, gate_weight):
    b, s, d = hidden_states.shape
    n_tokens = b * s
    x = hidden_states.reshape(n_tokens, d)
    x = x.astype(jnp.float32)
    w = gate_weight.astype(jnp.float32)
    logits = _tc_logits(x, w, n_tokens, 0)
    img = _make_router(n_tokens)(logits)
    routing_weights = img[:2, :].T
    indices = img[2:4, :].T.astype(jnp.int32)
    return routing_weights, indices

# --- scband reference (transcript-rebuilt; emitter-appended) ---
"""Pipeline reference for scband-step3p5-router-6674379178225 (READ-ONLY COPY).

The authoritative reference and input builder live on the scoring server;
editing this copy changes nothing except your own understanding.
"""

import jax, jax.numpy as jnp
import numpy as np

NUM_EXPERTS = 8
TOP_K = 2
HIDDEN = 1024
SCALING = 1.0

def setup_inputs(seed: int = 0) -> dict:
    key = jax.random.key(seed)
    k1, k2 = jax.random.split(key)
    hidden_states = jax.random.normal(k1, (4, 8192, HIDDEN), dtype=jnp.float32)
    # nn.Linear(hidden, num_experts, bias=False) weight: [num_experts, hidden]
    bound = 1.0 / np.sqrt(HIDDEN)
    gate_weight = jax.random.uniform(k2, (NUM_EXPERTS, HIDDEN), dtype=jnp.float32, minval=-bound, maxval=bound)
    return {"hidden_states": hidden_states, "gate_weight": gate_weight}

def reference(hidden_states, gate_weight):
    b, s, d = hidden_states.shape
    x = hidden_states.reshape(-1, d)
    # need_fp32_gate=True: fp32 matmul against gate.weight.T
    router_logits = jnp.matmul(x.astype(jnp.float32), gate_weight.T.astype(jnp.float32))
    # sigmoid_routing_function with renormalize=True
    gate_prob = jax.nn.sigmoid(router_logits.astype(jnp.float32))
    gate_prob = gate_prob / jnp.sum(gate_prob, axis=-1, keepdims=True)
    topk_prob, indices = jax.lax.top_k(gate_prob, TOP_K)
    expert_topk_weight = topk_prob / jnp.sum(topk_prob, axis=-1, keepdims=True)
    routing_weights = expert_topk_weight * SCALING
    return (routing_weights, indices)

if __name__ == "__main__":
    import jax
    _d = setup_inputs()
    print(jax.jit(kernel)(*tuple(_d.values())))

</pallas_src>

<mosaic_0001>
#map = affine_map<(d0, d1) -> (0, 0, 0)>
#map1 = affine_map<(d0, d1) -> (0, 0)>
module attributes {stable_mosaic.version = 14 : i64} {
  func.func @router(%arg0: i32, %arg1: i32, %arg2: memref<256x8x128xf32, #tpu.memory_space<hbm>>, %arg3: memref<8x32768xf32, #tpu.memory_space<hbm>>, %arg4: memref<8x8x128xf32, #tpu.memory_space<vmem>>, %arg5: memref<4096xf32, #tpu.memory_space<vmem>>, %arg6: memref<!tpu.dma_semaphore, #tpu.memory_space<semaphore_mem>>) attributes {dimension_semantics = [#tpu.dimension_semantics<core_parallel>, #tpu.dimension_semantics<subcore_parallel>], iteration_bounds = array<i64: 2, 16>, scalar_prefetch = 0 : i64, scratch_operands = 3 : i64, tpu.core_type = #tpu.core_type<sc_vector_subcore>, window_params = [{transform_indices = #map}, {transform_indices = #map1}]} {
    %mul3A = arith.constant 2 : i32
    %mul3A_0 = arith.muli %arg1, %mul3A : i32
    %add3A = arith.addi %mul3A_0, %arg0 : i32
    %mul3A_1 = arith.constant 1024 : i32
    %mul3A_2 = arith.muli %add3A, %mul3A_1 : i32
    %jit3A = arith.constant 128 : i32
    %div3A = arith.divsi %mul3A_2, %jit3A : i32
    %sign3A = arith.constant 0 : i32
    %sign3A_3 = arith.cmpi sgt, %mul3A_2, %sign3A : i32
    %sign3A_4 = arith.extui %sign3A_3 : i1 to i32
    %sign3A_5 = arith.constant 0 : i32
    %sign3A_6 = arith.cmpi slt, %mul3A_2, %sign3A_5 : i32
    %sign3A_7 = arith.extui %sign3A_6 : i1 to i32
    %sign3A_8 = arith.subi %sign3A_4, %sign3A_7 : i32
    %sign3A_9 = arith.constant 0 : i32
    %sign3A_10 = arith.cmpi sgt, %jit3A, %sign3A_9 : i32
    %sign3A_11 = arith.extui %sign3A_10 : i1 to i32
    %sign3A_12 = arith.constant 0 : i32
    %sign3A_13 = arith.cmpi slt, %jit3A, %sign3A_12 : i32
    %sign3A_14 = arith.extui %sign3A_13 : i1 to i32
    %sign3A_15 = arith.subi %sign3A_11, %sign3A_14 : i32
    %ne3A = arith.cmpi ne, %sign3A_8, %sign3A_15 : i32
    %rem3A = arith.remsi %mul3A_2, %jit3A : i32
    %ne3A_16 = arith.constant 0 : i32
    %ne3A_17 = arith.cmpi ne, %rem3A, %ne3A_16 : i32
    %and3A = arith.andi %ne3A, %ne3A_17 : i1
    %sub3A = arith.constant 1 : i32
    %sub3A_18 = arith.subi %div3A, %sub3A : i32
    %select_n3A = arith.select %and3A, %sub3A_18, %div3A : i32
    "tpu.region"() ({
      %run_scoped3A = tpu.sem_alloc : memref<!tpu.dma_semaphore, #tpu.memory_space<semaphore_mem>>
      %dma_start3A_96 = arith.constant 0 : i32
      %dma_start3A_97 = arith.constant 0 : i32
      %dma_start3A_98 = tpu.memref_slice %arg2[%select_n3A, %dma_start3A_96, %dma_start3A_97] : memref<256x8x128xf32, #tpu.memory_space<hbm>> -> memref<8x8x128xf32, #tpu.memory_space<hbm>>
      %dma_start3A_99 = arith.constant 0 : i32
      %dma_start3A_100 = arith.constant 0 : i32
      %dma_start3A_101 = tpu.memref_slice %arg2[%select_n3A, %dma_start3A_99, %dma_start3A_100] : memref<256x8x128xf32, #tpu.memory_space<hbm>> -> memref<8x8x128xf32, #tpu.memory_space<hbm>>
      tpu.enqueue_dma source(%dma_start3A_101 : memref<8x8x128xf32, #tpu.memory_space<hbm>>) target(%arg4 : memref<8x8x128xf32, #tpu.memory_space<vmem>>) target_semaphore(%run_scoped3A : memref<!tpu.dma_semaphore, #tpu.memory_space<semaphore_mem>>)
      %dma_wait3A_102 = arith.constant 0 : i32
      %dma_wait3A_103 = arith.constant 0 : i32
      %dma_wait3A_104 = tpu.memref_slice %arg2[%select_n3A, %dma_wait3A_102, %dma_wait3A_103] : memref<256x8x128xf32, #tpu.memory_space<hbm>> -> memref<8x8x128xf32, #tpu.memory_space<hbm>>
      %dma_wait3A_105 = arith.constant 0 : i32
      %dma_wait3A_106 = arith.constant 0 : i32
      %dma_wait3A_107 = tpu.memref_slice %arg2[%select_n3A, %dma_wait3A_105, %dma_wait3A_106] : memref<256x8x128xf32, #tpu.memory_space<hbm>> -> memref<8x8x128xf32, #tpu.memory_space<hbm>>
      tpu.wait_dma2 semaphore(%run_scoped3A : memref<!tpu.dma_semaphore, #tpu.memory_space<semaphore_mem>>) src(%dma_wait3A_107 : memref<8x8x128xf32, #tpu.memory_space<hbm>>) dst(%arg4 : memref<8x8x128xf32, #tpu.memory_space<vmem>>)
      tpu.yield
    }) : () -> ()
    %broadcast_in_dim3A = arith.constant 0 : i32
    %broadcast_in_dim3A_19 = vector.broadcast %broadcast_in_dim3A : i32 to vector<16xi32>
    %scan3A = arith.constant 0 : i32
    %scan3A_20 = arith.constant 0xFF800000 : f32
    %scan3A_21 = arith.constant 0 : i32
    %scan3A_22 = arith.constant 8 : i32
    %scan3A_23 = arith.addi %scan3A_21, %scan3A_22 : i32
    %scan3A_24 = arith.constant 1 : i32
    scf.for %scan3A_96 = %scan3A_21 to %scan3A_23 step %scan3A_24  : i32 {
      %get3A = arith.constant 0 : i32
      %get3A_97 = arith.index_cast %scan3A_96 : i32 to index
      %get3A_98 = arith.index_cast %get3A : i32 to index
      %get3A_99 = arith.constant 0 : index
      %get3A_100 = tpu.vector_load %arg4[%get3A_97, %get3A_98, %get3A_99] {strides = array<i32>} : memref<8x8x128xf32, #tpu.memory_space<vmem>>, vector<16xf32>,
      %get3A_101 = arith.constant 1 : i32
      %get3A_102 = arith.index_cast %scan3A_96 : i32 to index
      %get3A_103 = arith.index_cast %get3A_101 : i32 to index
      %get3A_104 = arith.constant 0 : index
      %get3A_105 = tpu.vector_load %arg4[%get3A_102, %get3A_103, %get3A_104] {strides = array<i32>} : memref<8x8x128xf32, #tpu.memory_space<vmem>>, vector<16xf32>,
      %get3A_106 = arith.constant 2 : i32
      %get3A_107 = arith.index_cast %scan3A_96 : i32 to index
      %get3A_108 = arith.index_cast %get3A_106 : i32 to index
      %get3A_109 = arith.constant 0 : index
      %get3A_110 = tpu.vector_load %arg4[%get3A_107, %get3A_108, %get3A_109] {strides = array<i32>} : memref<8x8x128xf32, #tpu.memory_space<vmem>>, vector<16xf32>,
      %get3A_111 = arith.constant 3 : i32
      %get3A_112 = arith.index_cast %scan3A_96 : i32 to index
      %get3A_113 = arith.index_cast %get3A_111 : i32 to index
      %get3A_114 = arith.constant 0 : index
      %get3A_115 = tpu.vector_load %arg4[%get3A_112, %get3A_113, %get3A_114] {strides = array<i32>} : memref<8x8x128xf32, #tpu.memory_space<vmem>>, vector<16xf32>,
      %get3A_116 = arith.constant 4 : i32
      %get3A_117 = arith.index_cast %scan3A_96 : i32 to index
      %get3A_118 = arith.index_cast %get3A_116 : i32 to index
      %get3A_119 = arith.constant 0 : index
      %get3A_120 = tpu.vector_load %arg4[%get3A_117, %get3A_118, %get3A_119] {strides = array<i32>} : memref<8x8x128xf32, #tpu.memory_space<vmem>>, vector<16xf32>,
      %get3A_121 = arith.constant 5 : i32
      %get3A_122 = arith.index_cast %scan3A_96 : i32 to index
      %get3A_123 = arith.index_cast %get3A_121 : i32 to index
      %get3A_124 = arith.constant 0 : index
      %get3A_125 = tpu.vector_load %arg4[%get3A_122, %get3A_123, %get3A_124] {strides = array<i32>} : memref<8x8x128xf32, #tpu.memory_space<vmem>>, vector<16xf32>,
      %get3A_126 = arith.constant 6 : i32
      %get3A_127 = arith.index_cast %scan3A_96 : i32 to index
      %get3A_128 = arith.index_cast %get3A_126 : i32 to index
      %get3A_129 = arith.constant 0 : index
      %get3A_130 = tpu.vector_load %arg4[%get3A_127, %get3A_128, %get3A_129] {strides = array<i32>} : memref<8x8x128xf32, #tpu.memory_space<vmem>>, vector<16xf32>,
      %get3A_131 = arith.constant 7 : i32
      %get3A_132 = arith.index_cast %scan3A_96 : i32 to index
      %get3A_133 = arith.index_cast %get3A_131 : i32 to index
      %get3A_134 = arith.constant 0 : index
      %get3A_135 = tpu.vector_load %arg4[%get3A_132, %get3A_133, %get3A_134] {strides = array<i32>} : memref<8x8x128xf32, #tpu.memory_space<vmem>>, vector<16xf32>,
      %max3A = arith.maximumf %get3A_100, %get3A_105 : vector<16xf32>
      %max3A_136 = arith.maximumf %max3A, %get3A_110 : vector<16xf32>
      %max3A_137 = arith.maximumf %max3A_136, %get3A_115 : vector<16xf32>
      %max3A_138 = arith.maximumf %max3A_137, %get3A_120 : vector<16xf32>
      %max3A_139 = arith.maximumf %max3A_138, %get3A_125 : vector<16xf32>
      %max3A_140 = arith.maximumf %max3A_139, %get3A_130 : vector<16xf32>
      %max3A_141 = arith.maximumf %max3A_140, %get3A_135 : vector<16xf32>
      %eq3A = arith.cmpf oeq, %get3A_135, %max3A_141 : vector<16xf32>
      %jit3A_142 = arith.constant 7 : i32
      %broadcast_in_dim3A_143 = vector.broadcast %jit3A_142 : i32 to vector<16xi32>
      %select_n3A_144 = arith.select %eq3A, %broadcast_in_dim3A_143, %broadcast_in_dim3A_19 : vector<16xi1>, vector<16xi32>
      %eq3A_145 = arith.cmpf oeq, %get3A_130, %max3A_141 : vector<16xf32>
      %jit3A_146 = arith.constant 6 : i32
      %broadcast_in_dim3A_147 = vector.broadcast %jit3A_146 : i32 to vector<16xi32>
      %select_n3A_148 = arith.select %eq3A_145, %broadcast_in_dim3A_147, %select_n3A_144 : vector<16xi1>, vector<16xi32>
      %eq3A_149 = arith.cmpf oeq, %get3A_125, %max3A_141 : vector<16xf32>
      %jit3A_150 = arith.constant 5 : i32
      %broadcast_in_dim3A_151 = vector.broadcast %jit3A_150 : i32 to vector<16xi32>
      %select_n3A_152 = arith.select %eq3A_149, %broadcast_in_dim3A_151, %select_n3A_148 : vector<16xi1>, vector<16xi32>
      %eq3A_153 = arith.cmpf oeq, %get3A_120, %max3A_141 : vector<16xf32>
      %jit3A_154 = arith.constant 4 : i32
      %broadcast_in_dim3A_155 = vector.broadcast %jit3A_154 : i32 to vector<16xi32>
      %select_n3A_156 = arith.select %eq3A_153, %broadcast_in_dim3A_155, %select_n3A_152 : vector<16xi1>, vector<16xi32>
      %eq3A_157 = arith.cmpf oeq, %get3A_115, %max3A_141 : vector<16xf32>
      %jit3A_158 = arith.constant 3 : i32
      %broadcast_in_dim3A_159 = vector.broadcast %jit3A_158 : i32 to vector<16xi32>
      %select_n3A_160 = arith.select %eq3A_157, %broadcast_in_dim3A_159, %select_n3A_156 : vector<16xi1>, vector<16xi32>
      %eq3A_161 = arith.cmpf oeq, %get3A_110, %max3A_141 : vector<16xf32>
      %jit3A_162 = arith.constant 2 : i32
      %broadcast_in_dim3A_163 = vector.broadcast %jit3A_162 : i32 to vector<16xi32>
      %select_n3A_164 = arith.select %eq3A_161, %broadcast_in_dim3A_163, %select_n3A_160 : vector<16xi1>, vector<16xi32>
      %eq3A_165 = arith.cmpf oeq, %get3A_105, %max3A_141 : vector<16xf32>
      %jit3A_166 = arith.constant 1 : i32
      %broadcast_in_dim3A_167 = vector.broadcast %jit3A_166 : i32 to vector<16xi32>
      %select_n3A_168 = arith.select %eq3A_165, %broadcast_in_dim3A_167, %select_n3A_164 : vector<16xi1>, vector<16xi32>
      %eq3A_169 = arith.cmpf oeq, %get3A_100, %max3A_141 : vector<16xf32>
      %jit3A_170 = arith.constant 0 : i32
      %broadcast_in_dim3A_171 = vector.broadcast %jit3A_170 : i32 to vector<16xi32>
      %select_n3A_172 = arith.select %eq3A_169, %broadcast_in_dim3A_171, %select_n3A_168 : vector<16xi1>, vector<16xi32>
      %eq3A_173 = arith.constant 0 : i32
      %eq3A_174 = vector.broadcast %eq3A_173 : i32 to vector<16xi32>
      %eq3A_175 = arith.cmpi eq, %select_n3A_172, %eq3A_174 : vector<16xi32>
      %broadcast_in_dim3A_176 = vector.broadcast %scan3A_20 : f32 to vector<16xf32>
      %select_n3A_177 = arith.select %eq3A_175, %broadcast_in_dim3A_176, %get3A_100 : vector<16xi1>, vector<16xf32>
      %eq3A_178 = arith.constant 1 : i32
      %eq3A_179 = vector.broadcast %eq3A_178 : i32 to vector<16xi32>
      %eq3A_180 = arith.cmpi eq, %select_n3A_172, %eq3A_179 : vector<16xi32>
      %broadcast_in_dim3A_181 = vector.broadcast %scan3A_20 : f32 to vector<16xf32>
      %select_n3A_182 = arith.select %eq3A_180, %broadcast_in_dim3A_181, %get3A_105 : vector<16xi1>, vector<16xf32>
      %eq3A_183 = arith.constant 2 : i32
      %eq3A_184 = vector.broadcast %eq3A_183 : i32 to vector<16xi32>
      %eq3A_185 = arith.cmpi eq, %select_n3A_172, %eq3A_184 : vector<16xi32>
      %broadcast_in_dim3A_186 = vector.broadcast %scan3A_20 : f32 to vector<16xf32>
      %select_n3A_187 = arith.select %eq3A_185, %broadcast_in_dim3A_186, %get3A_110 : vector<16xi1>, vector<16xf32>
      %eq3A_188 = arith.constant 3 : i32
      %eq3A_189 = vector.broadcast %eq3A_188 : i32 to vector<16xi32>
      %eq3A_190 = arith.cmpi eq, %select_n3A_172, %eq3A_189 : vector<16xi32>
      %broadcast_in_dim3A_191 = vector.broadcast %scan3A_20 : f32 to vector<16xf32>
      %select_n3A_192 = arith.select %eq3A_190, %broadcast_in_dim3A_191, %get3A_115 : vector<16xi1>, vector<16xf32>
      %eq3A_193 = arith.constant 4 : i32
      %eq3A_194 = vector.broadcast %eq3A_193 : i32 to vector<16xi32>
      %eq3A_195 = arith.cmpi eq, %select_n3A_172, %eq3A_194 : vector<16xi32>
      %broadcast_in_dim3A_196 = vector.broadcast %scan3A_20 : f32 to vector<16xf32>
      %select_n3A_197 = arith.select %eq3A_195, %broadcast_in_dim3A_196, %get3A_120 : vector<16xi1>, vector<16xf32>
      %eq3A_198 = arith.constant 5 : i32
      %eq3A_199 = vector.broadcast %eq3A_198 : i32 to vector<16xi32>
      %eq3A_200 = arith.cmpi eq, %select_n3A_172, %eq3A_199 : vector<16xi32>
      %broadcast_in_dim3A_201 = vector.broadcast %scan3A_20 : f32 to vector<16xf32>
      %select_n3A_202 = arith.select %eq3A_200, %broadcast_in_dim3A_201, %get3A_125 : vector<16xi1>, vector<16xf32>
      %eq3A_203 = arith.constant 6 : i32
      %eq3A_204 = vector.broadcast %eq3A_203 : i32 to vector<16xi32>
      %eq3A_205 = arith.cmpi eq, %select_n3A_172, %eq3A_204 : vector<16xi32>
      %broadcast_in_dim3A_206 = vector.broadcast %scan3A_20 : f32 to vector<16xf32>
      %select_n3A_207 = arith.select %eq3A_205, %broadcast_in_dim3A_206, %get3A_130 : vector<16xi1>, vector<16xf32>
      %eq3A_208 = arith.constant 7 : i32
      %eq3A_209 = vector.broadcast %eq3A_208 : i32 to vector<16xi32>
      %eq3A_210 = arith.cmpi eq, %select_n3A_172, %eq3A_209 : vector<16xi32>
      %broadcast_in_dim3A_211 = vector.broadcast %scan3A_20 : f32 to vector<16xf32>
      %select_n3A_212 = arith.select %eq3A_210, %broadcast_in_dim3A_211, %get3A_135 : vector<16xi1>, vector<16xf32>
      %max3A_213 = arith.maximumf %select_n3A_177, %select_n3A_182 : vector<16xf32>
      %max3A_214 = arith.maximumf %max3A_213, %select_n3A_187 : vector<16xf32>
      %max3A_215 = arith.maximumf %max3A_214, %select_n3A_192 : vector<16xf32>
      %max3A_216 = arith.maximumf %max3A_215, %select_n3A_197 : vector<16xf32>
      %max3A_217 = arith.maximumf %max3A_216, %select_n3A_202 : vector<16xf32>
      %max3A_218 = arith.maximumf %max3A_217, %select_n3A_207 : vector<16xf32>
      %max3A_219 = arith.maximumf %max3A_218, %select_n3A_212 : vector<16xf32>
      %eq3A_220 = arith.cmpf oeq, %select_n3A_212, %max3A_219 : vector<16xf32>
      %jit3A_221 = arith.constant 7 : i32
      %broadcast_in_dim3A_222 = vector.broadcast %jit3A_221 : i32 to vector<16xi32>
      %select_n3A_223 = arith.select %eq3A_220, %broadcast_in_dim3A_222, %broadcast_in_dim3A_19 : vector<16xi1>, vector<16xi32>
      %eq3A_224 = arith.cmpf oeq, %select_n3A_207, %max3A_219 : vector<16xf32>
      %jit3A_225 = arith.constant 6 : i32
      %broadcast_in_dim3A_226 = vector.broadcast %jit3A_225 : i32 to vector<16xi32>
      %select_n3A_227 = arith.select %eq3A_224, %broadcast_in_dim3A_226, %select_n3A_223 : vector<16xi1>, vector<16xi32>
      %eq3A_228 = arith.cmpf oeq, %select_n3A_202, %max3A_219 : vector<16xf32>
      %jit3A_229 = arith.constant 5 : i32
      %broadcast_in_dim3A_230 = vector.broadcast %jit3A_229 : i32 to vector<16xi32>
      %select_n3A_231 = arith.select %eq3A_228, %broadcast_in_dim3A_230, %select_n3A_227 : vector<16xi1>, vector<16xi32>
      %eq3A_232 = arith.cmpf oeq, %select_n3A_197, %max3A_219 : vector<16xf32>
      %jit3A_233 = arith.constant 4 : i32
      %broadcast_in_dim3A_234 = vector.broadcast %jit3A_233 : i32 to vector<16xi32>
      %select_n3A_235 = arith.select %eq3A_232, %broadcast_in_dim3A_234, %select_n3A_231 : vector<16xi1>, vector<16xi32>
      %eq3A_236 = arith.cmpf oeq, %select_n3A_192, %max3A_219 : vector<16xf32>
      %jit3A_237 = arith.constant 3 : i32
      %broadcast_in_dim3A_238 = vector.broadcast %jit3A_237 : i32 to vector<16xi32>
      %select_n3A_239 = arith.select %eq3A_236, %broadcast_in_dim3A_238, %select_n3A_235 : vector<16xi1>, vector<16xi32>
      %eq3A_240 = arith.cmpf oeq, %select_n3A_187, %max3A_219 : vector<16xf32>
      %jit3A_241 = arith.constant 2 : i32
      %broadcast_in_dim3A_242 = vector.broadcast %jit3A_241 : i32 to vector<16xi32>
      %select_n3A_243 = arith.select %eq3A_240, %broadcast_in_dim3A_242, %select_n3A_239 : vector<16xi1>, vector<16xi32>
      %eq3A_244 = arith.cmpf oeq, %select_n3A_182, %max3A_219 : vector<16xf32>
      %jit3A_245 = arith.constant 1 : i32
      %broadcast_in_dim3A_246 = vector.broadcast %jit3A_245 : i32 to vector<16xi32>
      %select_n3A_247 = arith.select %eq3A_244, %broadcast_in_dim3A_246, %select_n3A_243 : vector<16xi1>, vector<16xi32>
      %eq3A_248 = arith.cmpf oeq, %select_n3A_177, %max3A_219 : vector<16xf32>
      %jit3A_249 = arith.constant 0 : i32
      %broadcast_in_dim3A_250 = vector.broadcast %jit3A_249 : i32 to vector<16xi32>
      %select_n3A_251 = arith.select %eq3A_248, %broadcast_in_dim3A_250, %select_n3A_247 : vector<16xi1>, vector<16xi32>
      %abs3A = math.absf %max3A_141 : vector<16xf32>
      %neg3A = arith.constant 0.000000e+00 : f32
      %neg3A_252 = vector.broadcast %neg3A : f32 to vector<16xf32>
      %neg3A_253 = arith.subf %neg3A_252, %abs3A : vector<16xf32>
      %exp3A = math.exp %neg3A_253 : vector<16xf32>
      %ge3A = arith.constant 0.000000e+00 : f32
      %ge3A_254 = vector.broadcast %ge3A : f32 to vector<16xf32>
      %ge3A_255 = arith.cmpf oge, %max3A_141, %ge3A_254 : vector<16xf32>
      %add3A_256 = arith.constant 1.000000e+00 : f32
      %add3A_257 = vector.broadcast %add3A_256 : f32 to vector<16xf32>
      %add3A_258 = arith.addf %add3A_257, %exp3A : vector<16xf32>
      %div3A_259 = arith.constant 1.000000e+00 : f32
      %div3A_260 = vector.broadcast %div3A_259 : f32 to vector<16xf32>
      %div3A_261 = arith.divf %div3A_260, %add3A_258 : vector<16xf32>
      %add3A_262 = arith.constant 1.000000e+00 : f32
      %add3A_263 = vector.broadcast %add3A_262 : f32 to vector<16xf32>
      %add3A_264 = arith.addf %add3A_263, %exp3A : vector<16xf32>
      %div3A_265 = arith.divf %exp3A, %add3A_264 : vector<16xf32>
      %select_n3A_266 = arith.select %ge3A_255, %div3A_261, %div3A_265 : vector<16xi1>, vector<16xf32>
      %abs3A_267 = math.absf %max3A_219 : vector<16xf32>
      %neg3A_268 = arith.constant 0.000000e+00 : f32
      %neg3A_269 = vector.broadcast %neg3A_268 : f32 to vector<16xf32>
      %neg3A_270 = arith.subf %neg3A_269, %abs3A_267 : vector<16xf32>
      %exp3A_271 = math.exp %neg3A_270 : vector<16xf32>
      %ge3A_272 = arith.constant 0.000000e+00 : f32
      %ge3A_273 = vector.broadcast %ge3A_272 : f32 to vector<16xf32>
      %ge3A_274 = arith.cmpf oge, %max3A_219, %ge3A_273 : vector<16xf32>
      %add3A_275 = arith.constant 1.000000e+00 : f32
      %add3A_276 = vector.broadcast %add3A_275 : f32 to vector<16xf32>
      %add3A_277 = arith.addf %add3A_276, %exp3A_271 : vector<16xf32>
      %div3A_278 = arith.constant 1.000000e+00 : f32
      %div3A_279 = vector.broadcast %div3A_278 : f32 to vector<16xf32>
      %div3A_280 = arith.divf %div3A_279, %add3A_277 : vector<16xf32>
      %add3A_281 = arith.constant 1.000000e+00 : f32
      %add3A_282 = vector.broadcast %add3A_281 : f32 to vector<16xf32>
      %add3A_283 = arith.addf %add3A_282, %exp3A_271 : vector<16xf32>
      %div3A_284 = arith.divf %exp3A_271, %add3A_283 : vector<16xf32>
      %select_n3A_285 = arith.select %ge3A_274, %div3A_280, %div3A_284 : vector<16xi1>, vector<16xf32>
      %add3A_286 = arith.addf %select_n3A_266, %select_n3A_285 : vector<16xf32>
      %mul3A_287 = arith.constant 128 : i32
      %mul3A_288 = arith.muli %scan3A_96, %mul3A_287 : i32
      %add3A_289 = arith.constant 0 : i32
      %add3A_290 = arith.addi %mul3A_288, %add3A_289 : i32
      %div3A_291 = arith.divf %select_n3A_266, %add3A_286 : vector<16xf32>
      %swap3A = arith.index_cast %add3A_290 : i32 to index
      %swap3A_292 = tpu.vector_load %arg5[%swap3A] {strides = array<i32>} : memref<4096xf32, #tpu.memory_space<vmem>>, vector<16xf32>,
      tpu.vector_store %arg5[%swap3A], %div3A_291 {strides = array<i32>} : memref<4096xf32, #tpu.memory_space<vmem>>, vector<16xf32>,
      %div3A_293 = arith.divf %select_n3A_285, %add3A_286 : vector<16xf32>
      %add3A_294 = arith.constant 1024 : i32
      %add3A_295 = arith.addi %add3A_294, %add3A_290 : i32
      %swap3A_296 = arith.index_cast %add3A_295 : i32 to index
      %swap3A_297 = tpu.vector_load %arg5[%swap3A_296] {strides = array<i32>} : memref<4096xf32, #tpu.memory_space<vmem>>, vector<16xf32>,
      tpu.vector_store %arg5[%swap3A_296], %div3A_293 {strides = array<i32>} : memref<4096xf32, #tpu.memory_space<vmem>>, vector<16xf32>,
      %convert_element_type3A = arith.sitofp %select_n3A_172 : vector<16xi32> to vector<16xf32>
      %add3A_298 = arith.constant 2048 : i32
      %add3A_299 = arith.addi %add3A_298, %add3A_290 : i32
      %swap3A_300 = arith.index_cast %add3A_299 : i32 to index
      %swap3A_301 = tpu.vector_load %arg5[%swap3A_300] {strides = array<i32>} : memref<4096xf32, #tpu.memory_space<vmem>>, vector<16xf32>,
      tpu.vector_store %arg5[%swap3A_300], %convert_element_type3A {strides = array<i32>} : memref<4096xf32, #tpu.memory_space<vmem>>, vector<16xf32>,
      %convert_element_type3A_302 = arith.sitofp %select_n3A_251 : vector<16xi32> to vector<16xf32>
      %add3A_303 = arith.constant 3072 : i32
      %add3A_304 = arith.addi %add3A_303, %add3A_290 : i32
      %swap3A_305 = arith.index_cast %add3A_304 : i32 to index
      %swap3A_306 = tpu.vector_load %arg5[%swap3A_305] {strides = array<i32>} : memref<4096xf32, #tpu.memory_space<vmem>>, vector<16xf32>,
      tpu.vector_store %arg5[%swap3A_305], %convert_element_type3A_302 {strides = array<i32>} : memref<4096xf32, #tpu.memory_space<vmem>>, vector<16xf32>,
      %get3A_307 = arith.constant 0 : i32
      %get3A_308 = arith.index_cast %scan3A_96 : i32 to index
      %get3A_309 = arith.index_cast %get3A_307 : i32 to index
      %get3A_310 = arith.constant 16 : index
      %get3A_311 = tpu.vector_load %arg4[%get3A_308, %get3A_309, %get3A_310] {strides = array<i32>} : memref<8x8x128xf32, #tpu.memory_space<vmem>>, vector<16xf32>,
      %get3A_312 = arith.constant 1 : i32
      %get3A_313 = arith.index_cast %scan3A_96 : i32 to index
      %get3A_314 = arith.index_cast %get3A_312 : i32 to index
      %get3A_315 = arith.constant 16 : index
      %get3A_316 = tpu.vector_load %arg4[%get3A_313, %get3A_314, %get3A_315] {strides = array<i32>} : memref<8x8x128xf32, #tpu.memory_space<vmem>>, vector<16xf32>,
      %get3A_317 = arith.constant 2 : i32
      %get3A_318 = arith.index_cast %scan3A_96 : i32 to index
      %get3A_319 = arith.index_cast %get3A_317 : i32 to index
      %get3A_320 = arith.constant 16 : index
      %get3A_321 = tpu.vector_load %arg4[%get3A_318, %get3A_319, %get3A_320] {strides = array<i32>} : memref<8x8x128xf32, #tpu.memory_space<vmem>>, vector<16xf32>,
      %get3A_322 = arith.constant 3 : i32
      %get3A_323 = arith.index_cast %scan3A_96 : i32 to index
      %get3A_324 = arith.index_cast %get3A_322 : i32 to index
      %get3A_325 = arith.constant 16 : index
      %get3A_326 = tpu.vector_load %arg4[%get3A_323, %get3A_324, %get3A_325] {strides = array<i32>} : memref<8x8x128xf32, #tpu.memory_space<vmem>>, vector<16xf32>,
      %get3A_327 = arith.constant 4 : i32
      %get3A_328 = arith.index_cast %scan3A_96 : i32 to index
      %get3A_329 = arith.index_cast %get3A_327 : i32 to index
      %get3A_330 = arith.constant 16 : index
      %get3A_331 = tpu.vector_load %arg4[%get3A_328, %get3A_329, %get3A_330] {strides = array<i32>} : memref<8x8x128xf32, #tpu.memory_space<vmem>>, vector<16xf32>,
      %get3A_332 = arith.constant 5 : i32
      %get3A_333 = arith.index_cast %scan3A_96 : i32 to index
      %get3A_334 = arith.index_cast %get3A_332 : i32 to index
      %get3A_335 = arith.constant 16 : index
      %get3A_336 = tpu.vector_load %arg4[%get3A_333, %get3A_334, %get3A_335] {strides = array<i32>} : memref<8x8x128xf32, #tpu.memory_space<vmem>>, vector<16xf32>,
      %get3A_337 = arith.constant 6 : i32
      %get3A_338 = arith.index_cast %scan3A_96 : i32 to index
      %get3A_339 = arith.index_cast %get3A_337 : i32 to index
      %get3A_340 = arith.constant 16 : index
      %get3A_341 = tpu.vector_load %arg4[%get3A_338, %get3A_339, %get3A_340] {strides = array<i32>} : memref<8x8x128xf32, #tpu.memory_space<vmem>>, vector<16xf32>,
      %get3A_342 = arith.constant 7 : i32
      %get3A_343 = arith.index_cast %scan3A_96 : i32 to index
      %get3A_344 = arith.index_cast %get3A_342 : i32 to index
      %get3A_345 = arith.constant 16 : index
      %get3A_346 = tpu.vector_load %arg4[%get3A_343, %get3A_344, %get3A_345] {strides = array<i32>} : memref<8x8x128xf32, #tpu.memory_space<vmem>>, vector<16xf32>,
      %max3A_347 = arith.maximumf %get3A_311, %get3A_316 : vector<16xf32>
      %max3A_348 = arith.maximumf %max3A_347, %get3A_321 : vector<16xf32>
      %max3A_349 = arith.maximumf %max3A_348, %get3A_326 : vector<16xf32>
      %max3A_350 = arith.maximumf %max3A_349, %get3A_331 : vector<16xf32>
      %max3A_351 = arith.maximumf %max3A_350, %get3A_336 : vector<16xf32>
      %max3A_352 = arith.maximumf %max3A_351, %get3A_341 : vector<16xf32>
      %max3A_353 = arith.maximumf %max3A_352, %get3A_346 : vector<16xf32>
      %eq3A_354 = arith.cmpf oeq, %get3A_346, %max3A_353 : vector<16xf32>
      %jit3A_355 = arith.constant 7 : i32
      %broadcast_in_dim3A_356 = vector.broadcast %jit3A_355 : i32 to vector<16xi32>
      %select_n3A_357 = arith.select %eq3A_354, %broadcast_in_dim3A_356, %broadcast_in_dim3A_19 : vector<16xi1>, vector<16xi32>
      %eq3A_358 = arith.cmpf oeq, %get3A_341, %max3A_353 : vector<16xf32>
      %jit3A_359 = arith.constant 6 : i32
      %broadcast_in_dim3A_360 = vector.broadcast %jit3A_359 : i32 to vector<16xi32>
      %select_n3A_361 = arith.select %eq3A_358, %broadcast_in_dim3A_360, %select_n3A_357 : vector<16xi1>, vector<16xi32>
      %eq3A_362 = arith.cmpf oeq, %get3A_336, %max3A_353 : vector<16xf32>
      %jit3A_363 = arith.constant 5 : i32
      %broadcast_in_dim3A_364 = vector.broadcast %jit3A_363 : i32 to vector<16xi32>
      %select_n3A_365 = arith.select %eq3A_362, %broadcast_in_dim3A_364, %select_n3A_361 : vector<16xi1>, vector<16xi32>
      %eq3A_366 = arith.cmpf oeq, %get3A_331, %max3A_353 : vector<16xf32>
      %jit3A_367 = arith.constant 4 : i32
      %broadcast_in_dim3A_368 = vector.broadcast %jit3A_367 : i32 to vector<16xi32>
      %select_n3A_369 = arith.select %eq3A_366, %broadcast_in_dim3A_368, %select_n3A_365 : vector<16xi1>, vector<16xi32>
      %eq3A_370 = arith.cmpf oeq, %get3A_326, %max3A_353 : vector<16xf32>
      %jit3A_371 = arith.constant 3 : i32
      %broadcast_in_dim3A_372 = vector.broadcast %jit3A_371 : i32 to vector<16xi32>
      %select_n3A_373 = arith.select %eq3A_370, %broadcast_in_dim3A_372, %select_n3A_369 : vector<16xi1>, vector<16xi32>
      %eq3A_374 = arith.cmpf oeq, %get3A_321, %max3A_353 : vector<16xf32>
      %jit3A_375 = arith.constant 2 : i32
      %broadcast_in_dim3A_376 = vector.broadcast %jit3A_375 : i32 to vector<16xi32>
      %select_n3A_377 = arith.select %eq3A_374, %broadcast_in_dim3A_376, %select_n3A_373 : vector<16xi1>, vector<16xi32>
      %eq3A_378 = arith.cmpf oeq, %get3A_316, %max3A_353 : vector<16xf32>
      %jit3A_379 = arith.constant 1 : i32
      %broadcast_in_dim3A_380 = vector.broadcast %jit3A_379 : i32 to vector<16xi32>
      %select_n3A_381 = arith.select %eq3A_378, %broadcast_in_dim3A_380, %select_n3A_377 : vector<16xi1>, vector<16xi32>
      %eq3A_382 = arith.cmpf oeq, %get3A_311, %max3A_353 : vector<16xf32>
      %jit3A_383 = arith.constant 0 : i32
      %broadcast_in_dim3A_384 = vector.broadcast %jit3A_383 : i32 to vector<16xi32>
      %select_n3A_385 = arith.select %eq3A_382, %broadcast_in_dim3A_384, %select_n3A_381 : vector<16xi1>, vector<16xi32>
      %eq3A_386 = arith.constant 0 : i32
      %eq3A_387 = vector.broadcast %eq3A_386 : i32 to vector<16xi32>
      %eq3A_388 = arith.cmpi eq, %select_n3A_385, %eq3A_387 : vector<16xi32>
      %broadcast_in_dim3A_389 = vector.broadcast %scan3A_20 : f32 to vector<16xf32>
      %select_n3A_390 = arith.select %eq3A_388, %broadcast_in_dim3A_389, %get3A_311 : vector<16xi1>, vector<16xf32>
      %eq3A_391 = arith.constant 1 : i32
      %eq3A_392 = vector.broadcast %eq3A_391 : i32 to vector<16xi32>
      %eq3A_393 = arith.cmpi eq, %select_n3A_385, %eq3A_392 : vector<16xi32>
      %broadcast_in_dim3A_394 = vector.broadcast %scan3A_20 : f32 to vector<16xf32>
      %select_n3A_395 = arith.select %eq3A_393, %broadcast_in_dim3A_394, %get3A_316 : vector<16xi1>, vector<16xf32>
      %eq3A_396 = arith.constant 2 : i32
      %eq3A_397 = vector.broadcast %eq3A_396 : i32 to vector<16xi32>
      %eq3A_398 = arith.cmpi eq, %select_n3A_385, %eq3A_397 : vector<16xi32>
      %broadcast_in_dim3A_399 = vector.broadcast %scan3A_20 : f32 to vector<16xf32>
      %select_n3A_400 = arith.select %eq3A_398, %broadcast_in_dim3A_399, %get3A_321 : vector<16xi1>, vector<16xf32>
      %eq3A_401 = arith.constant 3 : i32
      %eq3A_402 = vector.broadcast %eq3A_401 : i32 to vector<16xi32>
      %eq3A_403 = arith.cmpi eq, %select_n3A_385, %eq3A_402 : vector<16xi32>
      %broadcast_in_dim3A_404 = vector.broadcast %scan3A_20 : f32 to vector<16xf32>
      %select_n3A_405 = arith.select %eq3A_403, %broadcast_in_dim3A_404, %get3A_326 : vector<16xi1>, vector<16xf32>
      %eq3A_406 = arith.constant 4 : i32
      %eq3A_407 = vector.broadcast %eq3A_406 : i32 to vector<16xi32>
      %eq3A_408 = arith.cmpi eq, %select_n3A_385, %eq3A_407 : vector<16xi32>
      %broadcast_in_dim3A_409 = vector.broadcast %scan3A_20 : f32 to vector<16xf32>
      %select_n3A_410 = arith.select %eq3A_408, %broadcast_in_dim3A_409, %get3A_331 : vector<16xi1>, vector<16xf32>
      %eq3A_411 = arith.constant 5 : i32
      %eq3A_412 = vector.broadcast %eq3A_411 : i32 to vector<16xi32>
      %eq3A_413 = arith.cmpi eq, %select_n3A_385, %eq3A_412 : vector<16xi32>
      %broadcast_in_dim3A_414 = vector.broadcast %scan3A_20 : f32 to vector<16xf32>
      %select_n3A_415 = arith.select %eq3A_413, %broadcast_in_dim3A_414, %get3A_336 : vector<16xi1>, vector<16xf32>
      %eq3A_416 = arith.constant 6 : i32
      %eq3A_417 = vector.broadcast %eq3A_416 : i32 to vector<16xi32>
      %eq3A_418 = arith.cmpi eq, %select_n3A_385, %eq3A_417 : vector<16xi32>
      %broadcast_in_dim3A_419 = vector.broadcast %scan3A_20 : f32 to vector<16xf32>
      %select_n3A_420 = arith.select %eq3A_418, %broadcast_in_dim3A_419, %get3A_341 : vector<16xi1>, vector<16xf32>
      %eq3A_421 = arith.constant 7 : i32
      %eq3A_422 = vector.broadcast %eq3A_421 : i32 to vector<16xi32>
      %eq3A_423 = arith.cmpi eq, %select_n3A_385, %eq3A_422 : vector<16xi32>
      %broadcast_in_dim3A_424 = vector.broadcast %scan3A_20 : f32 to vector<16xf32>
      %select_n3A_425 = arith.select %eq3A_423, %broadcast_in_dim3A_424, %get3A_346 : vector<16xi1>, vector<16xf32>
      %max3A_426 = arith.maximumf %select_n3A_390, %select_n3A_395 : vector<16xf32>
      %max3A_427 = arith.maximumf %max3A_426, %select_n3A_400 : vector<16xf32>
      %max3A_428 = arith.maximumf %max3A_427, %select_n3A_405 : vector<16xf32>
      %max3A_429 = arith.maximumf %max3A_428, %select_n3A_410 : vector<16xf32>
      %max3A_430 = arith.maximumf %max3A_429, %select_n3A_415 : vector<16xf32>
      %max3A_431 = arith.maximumf %max3A_430, %select_n3A_420 : vector<16xf32>
      %max3A_432 = arith.maximumf %max3A_431, %select_n3A_425 : vector<16xf32>
      %eq3A_433 = arith.cmpf oeq, %select_n3A_425, %max3A_432 : vector<16xf32>
      %jit3A_434 = arith.constant 7 : i32
      %broadcast_in_dim3A_435 = vector.broadcast %jit3A_434 : i32 to vector<16xi32>
      %select_n3A_436 = arith.select %eq3A_433, %broadcast_in_dim3A_435, %broadcast_in_dim3A_19 : vector<16xi1>, vector<16xi32>
      %eq3A_437 = arith.cmpf oeq, %select_n3A_420, %max3A_432 : vector<16xf32>
      %jit3A_438 = arith.constant 6 : i32
      %broadcast_in_dim3A_439 = vector.broadcast %jit3A_438 : i32 to vector<16xi32>
      %select_n3A_440 = arith.select %eq3A_437, %broadcast_in_dim3A_439, %select_n3A_436 : vector<16xi1>, vector<16xi32>
      %eq3A_441 = arith.cmpf oeq, %select_n3A_415, %max3A_432 : vector<16xf32>
      %jit3A_442 = arith.constant 5 : i32
      %broadcast_in_dim3A_443 = vector.broadcast %jit3A_442 : i32 to vector<16xi32>
      %select_n3A_444 = arith.select %eq3A_441, %broadcast_in_dim3A_443, %select_n3A_440 : vector<16xi1>, vector<16xi32>
      %eq3A_445 = arith.cmpf oeq, %select_n3A_410, %max3A_432 : vector<16xf32>
      %jit3A_446 = arith.constant 4 : i32
      %broadcast_in_dim3A_447 = vector.broadcast %jit3A_446 : i32 to vector<16xi32>
      %select_n3A_448 = arith.select %eq3A_445, %broadcast_in_dim3A_447, %select_n3A_444 : vector<16xi1>, vector<16xi32>
      %eq3A_449 = arith.cmpf oeq, %select_n3A_405, %max3A_432 : vector<16xf32>
      %jit3A_450 = arith.constant 3 : i32
      %broadcast_in_dim3A_451 = vector.broadcast %jit3A_450 : i32 to vector<16xi32>
      %select_n3A_452 = arith.select %eq3A_449, %broadcast_in_dim3A_451, %select_n3A_448 : vector<16xi1>, vector<16xi32>
      %eq3A_453 = arith.cmpf oeq, %select_n3A_400, %max3A_432 : vector<16xf32>
      %jit3A_454 = arith.constant 2 : i32
      %broadcast_in_dim3A_455 = vector.broadcast %jit3A_454 : i32 to vector<16xi32>
      %select_n3A_456 = arith.select %eq3A_453, %broadcast_in_dim3A_455, %select_n3A_452 : vector<16xi1>, vector<16xi32>
      %eq3A_457 = arith.cmpf oeq, %select_n3A_395, %max3A_432 : vector<16xf32>
      %jit3A_458 = arith.constant 1 : i32
      %broadcast_in_dim3A_459 = vector.broadcast %jit3A_458 : i32 to vector<16xi32>
      %select_n3A_460 = arith.select %eq3A_457, %broadcast_in_dim3A_459, %select_n3A_456 : vector<16xi1>, vector<16xi32>
      %eq3A_461 = arith.cmpf oeq, %select_n3A_390, %max3A_432 : vector<16xf32>
      %jit3A_462 = arith.constant 0 : i32
      %broadcast_in_dim3A_463 = vector.broadcast %jit3A_462 : i32 to vector<16xi32>
      %select_n3A_464 = arith.select %eq3A_461, %broadcast_in_dim3A_463, %select_n3A_460 : vector<16xi1>, vector<16xi32>
      %abs3A_465 = math.absf %max3A_353 : vector<16xf32>
      %neg3A_466 = arith.constant 0.000000e+00 : f32
      %neg3A_467 = vector.broadcast %neg3A_466 : f32 to vector<16xf32>
      %neg3A_468 = arith.subf %neg3A_467, %abs3A_465 : vector<16xf32>
      %exp3A_469 = math.exp %neg3A_468 : vector<16xf32>
      %ge3A_470 = arith.constant 0.000000e+00 : f32
      %ge3A_471 = vector.broadcast %ge3A_470 : f32 to vector<16xf32>
      %ge3A_472 = arith.cmpf oge, %max3A_353, %ge3A_471 : vector<16xf32>
      %add3A_473 = arith.constant 1.000000e+00 : f32
      %add3A_474 = vector.broadcast %add3A_473 : f32 to vector<16xf32>
      %add3A_475 = arith.addf %add3A_474, %exp3A_469 : vector<16xf32>
      %div3A_476 = arith.constant 1.000000e+00 : f32
      %div3A_477 = vector.broadcast %div3A_476 : f32 to vector<16xf32>
      %div3A_478 = arith.divf %div3A_477, %add3A_475 : vector<16xf32>
      %add3A_479 = arith.constant 1.000000e+00 : f32
      %add3A_480 = vector.broadcast %add3A_479 : f32 to vector<16xf32>
      %add3A_481 = arith.addf %add3A_480, %exp3A_469 : vector<16xf32>
      %div3A_482 = arith.divf %exp3A_469, %add3A_481 : vector<16xf32>
      %select_n3A_483 = arith.select %ge3A_472, %div3A_478, %div3A_482 : vector<16xi1>, vector<16xf32>
      %abs3A_484 = math.absf %max3A_432 : vector<16xf32>
      %neg3A_485 = arith.constant 0.000000e+00 : f32
      %neg3A_486 = vector.broadcast %neg3A_485 : f32 to vector<16xf32>
      %neg3A_487 = arith.subf %neg3A_486, %abs3A_484 : vector<16xf32>
      %exp3A_488 = math.exp %neg3A_487 : vector<16xf32>
      %ge3A_489 = arith.constant 0.000000e+00 : f32
      %ge3A_490 = vector.broadcast %ge3A_489 : f32 to vector<16xf32>
      %ge3A_491 = arith.cmpf oge, %max3A_432, %ge3A_490 : vector<16xf32>
      %add3A_492 = arith.constant 1.000000e+00 : f32
      %add3A_493 = vector.broadcast %add3A_492 : f32 to vector<16xf32>
      %add3A_494 = arith.addf %add3A_493, %exp3A_488 : vector<16xf32>
      %div3A_495 = arith.constant 1.000000e+00 : f32
      %div3A_496 = vector.broadcast %div3A_495 : f32 to vector<16xf32>
      %div3A_497 = arith.divf %div3A_496, %add3A_494 : vector<16xf32>
      %add3A_498 = arith.constant 1.000000e+00 : f32
      %add3A_499 = vector.broadcast %add3A_498 : f32 to vector<16xf32>
      %add3A_500 = arith.addf %add3A_499, %exp3A_488 : vector<16xf32>
      %div3A_501 = arith.divf %exp3A_488, %add3A_500 : vector<16xf32>
      %select_n3A_502 = arith.select %ge3A_491, %div3A_497, %div3A_501 : vector<16xi1>, vector<16xf32>
      %add3A_503 = arith.addf %select_n3A_483, %select_n3A_502 : vector<16xf32>
      %mul3A_504 = arith.constant 128 : i32
      %mul3A_505 = arith.muli %scan3A_96, %mul3A_504 : i32
      %add3A_506 = arith.constant 16 : i32
      %add3A_507 = arith.addi %mul3A_505, %add3A_506 : i32
      %div3A_508 = arith.divf %select_n3A_483, %add3A_503 : vector<16xf32>
      %swap3A_509 = arith.index_cast %add3A_507 : i32 to index
      %swap3A_510 = tpu.vector_load %arg5[%swap3A_509] {strides = array<i32>} : memref<4096xf32, #tpu.memory_space<vmem>>, vector<16xf32>,
      tpu.vector_store %arg5[%swap3A_509], %div3A_508 {strides = array<i32>} : memref<4096xf32, #tpu.memory_space<vmem>>, vector<16xf32>,
      %div3A_511 = arith.divf %select_n3A_502, %add3A_503 : vector<16xf32>
      %add3A_512 = arith.constant 1024 : i32
      %add3A_513 = arith.addi %add3A_512, %add3A_507 : i32
      %swap3A_514 = arith.index_cast %add3A_513 : i32 to index
      %swap3A_515 = tpu.vector_load %arg5[%swap3A_514] {strides = array<i32>} : memref<4096xf32, #tpu.memory_space<vmem>>, vector<16xf32>,
      tpu.vector_store %arg5[%swap3A_514], %div3A_511 {strides = array<i32>} : memref<4096xf32, #tpu.memory_space<vmem>>, vector<16xf32>,
      %convert_element_type3A_516 = arith.sitofp %select_n3A_385 : vector<16xi32> to vector<16xf32>
      %add3A_517 = arith.constant 2048 : i32
      %add3A_518 = arith.addi %add3A_517, %add3A_507 : i32
      %swap3A_519 = arith.index_cast %add3A_518 : i32 to index
      %swap3A_520 = tpu.vector_load %arg5[%swap3A_519] {strides = array<i32>} : memref<4096xf32, #tpu.memory_space<vmem>>, vector<16xf32>,
      tpu.vector_store %arg5[%swap3A_519], %convert_element_type3A_516 {strides = array<i32>} : memref<4096xf32, #tpu.memory_space<vmem>>, vector<16xf32>,
      %convert_element_type3A_521 = arith.sitofp %select_n3A_464 : vector<16xi32> to vector<16xf32>
      %add3A_522 = arith.constant 3072 : i32
      %add3A_523 = arith.addi %add3A_522, %add3A_507 : i32
      %swap3A_524 = arith.index_cast %add3A_523 : i32 to index
      %swap3A_525 = tpu.vector_load %arg5[%swap3A_524] {strides = array<i32>} : memref<4096xf32, #tpu.memory_space<vmem>>, vector<16xf32>,
      tpu.vector_store %arg5[%swap3A_524], %convert_element_type3A_521 {strides = array<i32>} : memref<4096xf32, #tpu.memory_space<vmem>>, vector<16xf32>,
      %get3A_526 = arith.constant 0 : i32
      %get3A_527 = arith.index_cast %scan3A_96 : i32 to index
      %get3A_528 = arith.index_cast %get3A_526 : i32 to index
      %get3A_529 = arith.constant 32 : index
      %get3A_530 = tpu.vector_load %arg4[%get3A_527, %get3A_528, %get3A_529] {strides = array<i32>} : memref<8x8x128xf32, #tpu.memory_space<vmem>>, vector<16xf32>,
      %get3A_531 = arith.constant 1 : i32
      %get3A_532 = arith.index_cast %scan3A_96 : i32 to index
      %get3A_533 = arith.index_cast %get3A_531 : i32 to index
      %get3A_534 = arith.constant 32 : index
      %get3A_535 = tpu.vector_load %arg4[%get3A_532, %get3A_533, %get3A_534] {strides = array<i32>} : memref<8x8x128xf32, #tpu.memory_space<vmem>>, vector<16xf32>,
      %get3A_536 = arith.constant 2 : i32
      %get3A_537 = arith.index_cast %scan3A_96 : i32 to index
      %get3A_538 = arith.index_cast %get3A_536 : i32 to index
      %get3A_539 = arith.constant 32 : index
      %get3A_540 = tpu.vector_load %arg4[%get3A_537, %get3A_538, %get3A_539] {strides = array<i32>} : memref<8x8x128xf32, #tpu.memory_space<vmem>>, vector<16xf32>,
      %get3A_541 = arith.constant 3 : i32
      %get3A_542 = arith.index_cast %scan3A_96 : i32 to index
      %get3A_543 = arith.index_cast %get3A_541 : i32 to index
      %get3A_544 = arith.constant 32 : index
      %get3A_545 = tpu.vector_load %arg4[%get3A_542, %get3A_543, %get3A_544] {strides = array<i32>} : memref<8x8x128xf32, #tpu.memory_space<vmem>>, vector<16xf32>,
      %get3A_546 = arith.constant 4 : i32
      %get3A_547 = arith.index_cast %scan3A_96 : i32 to index
      %get3A_548 = arith.index_cast %get3A_546 : i32 to index
      %get3A_549 = arith.constant 32 : index
      %get3A_550 = tpu.vector_load %arg4[%get3A_547, %get3A_548, %get3A_549] {strides = array<i32>} : memref<8x8x128xf32, #tpu.memory_space<vmem>>, vector<16xf32>,
      %get3A_551 = arith.constant 5 : i32
      %get3A_552 = arith.index_cast %scan3A_96 : i32 to index
      %get3A_553 = arith.index_cast %get3A_551 : i32 to index
      %get3A_554 = arith.constant 32 : index
      %get3A_555 = tpu.vector_load %arg4[%get3A_552, %get3A_553, %get3A_554] {strides = array<i32>} : memref<8x8x128xf32, #tpu.memory_space<vmem>>, vector<16xf32>,
      %get3A_556 = arith.constant 6 : i32
      %get3A_557 = arith.index_cast %scan3A_96 : i32 to index
      %get3A_558 = arith.index_cast %get3A_556 : i32 to index
      %get3A_559 = arith.constant 32 : index
      %get3A_560 = tpu.vector_load %arg4[%get3A_557, %get3A_558, %get3A_559] {strides = array<i32>} : memref<8x8x128xf32, #tpu.memory_space<vmem>>, vector<16xf32>,
      %get3A_561 = arith.constant 7 : i32
      %get3A_562 = arith.index_cast %scan3A_96 : i32 to index
      %get3A_563 = arith.index_cast %get3A_561 : i32 to index
      %get3A_564 = arith.constant 32 : index
      %get3A_565 = tpu.vector_load %arg4[%get3A_562, %get3A_563, %get3A_564] {strides = array<i32>} : memref<8x8x128xf32, #tpu.memory_space<vmem>>, vector<16xf32>,
      %max3A_566 = arith.maximumf %get3A_530, %get3A_535 : vector<16xf32>
      %max3A_567 = arith.maximumf %max3A_566, %get3A_540 : vector<16xf32>
      %max3A_568 = arith.maximumf %max3A_567, %get3A_545 : vector<16xf32>
      %max3A_569 = arith.maximumf %max3A_568, %get3A_550 : vector<16xf32>
      %max3A_570 = arith.maximumf %max3A_569, %get3A_555 : vector<16xf32>
      %max3A_571 = arith.maximumf %max3A_570, %get3A_560 : vector<16xf32>
      %max3A_572 = arith.maximumf %max3A_571, %get3A_565 : vector<16xf32>
      %eq3A_573 = arith.cmpf oeq, %get3A_565, %max3A_572 : vector<16xf32>
      %jit3A_574 = arith.constant 7 : i32
      %broadcast_in_dim3A_575 = vector.broadcast %jit3A_574 : i32 to vector<16xi32>
      %select_n3A_576 = arith.select %eq3A_573, %broadcast_in_dim3A_575, %broadcast_in_dim3A_19 : vector<16xi1>, vector<16xi32>
      %eq3A_577 = arith.cmpf oeq, %get3A_560, %max3A_572 : vector<16xf32>
      %jit3A_578 = arith.constant 6 : i32
      %broadcast_in_dim3A_579 = vector.broadcast %jit3A_578 : i32 to vector<16xi32>
      %select_n3A_580 = arith.select %eq3A_577, %broadcast_in_dim3A_579, %select_n3A_576 : vector<16xi1>, vector<16xi32>
      %eq3A_581 = arith.cmpf oeq, %get3A_555, %max3A_572 : vector<16xf32>
      %jit3A_582 = arith.constant 5 : i32
      %broadcast_in_dim3A_583 = vector.broadcast %jit3A_582 : i32 to vector<16xi32>
      %select_n3A_584 = arith.select %eq3A_581, %broadcast_in_dim3A_583, %select_n3A_580 : vector<16xi1>, vector<16xi32>
      %eq3A_585 = arith.cmpf oeq, %get3A_550, %max3A_572 : vector<16xf32>
      %jit3A_586 = arith.constant 4 : i32
      %broadcast_in_dim3A_587 = vector.broadcast %jit3A_586 : i32 to vector<16xi32>
      %select_n3A_588 = arith.select %eq3A_585, %broadcast_in_dim3A_587, %select_n3A_584 : vector<16xi1>, vector<16xi32>
      %eq3A_589 = arith.cmpf oeq, %get3A_545, %max3A_572 : vector<16xf32>
      %jit3A_590 = arith.constant 3 : i32
      %broadcast_in_dim3A_591 = vector.broadcast %jit3A_590 : i32 to vector<16xi32>
      %select_n3A_592 = arith.select %eq3A_589, %broadcast_in_dim3A_591, %select_n3A_588 : vector<16xi1>, vector<16xi32>
      %eq3A_593 = arith.cmpf oeq, %get3A_540, %max3A_572 : vector<16xf32>
      %jit3A_594 = arith.constant 2 : i32
      %broadcast_in_dim3A_595 = vector.broadcast %jit3A_594 : i32 to vector<16xi32>
      %select_n3A_596 = arith.select %eq3A_593, %broadcast_in_dim3A_595, %select_n3A_592 : vector<16xi1>, vector<16xi32>
      %eq3A_597 = arith.cmpf oeq, %get3A_535, %max3A_572 : vector<16xf32>
      %jit3A_598 = arith.constant 1 : i32
      %broadcast_in_dim3A_599 = vector.broadcast %jit3A_598 : i32 to vector<16xi32>
      %select_n3A_600 = arith.select %eq3A_597, %broadcast_in_dim3A_599, %select_n3A_596 : vector<16xi1>, vector<16xi32>
      %eq3A_601 = arith.cmpf oeq, %get3A_530, %max3A_572 : vector<16xf32>
      %jit3A_602 = arith.constant 0 : i32
      %broadcast_in_dim3A_603 = vector.broadcast %jit3A_602 : i32 to vector<16xi32>
      %select_n3A_604 = arith.select %eq3A_601, %broadcast_in_dim3A_603, %select_n3A_600 : vector<16xi1>, vector<16xi32>
      %eq3A_605 = arith.constant 0 : i32
      %eq3A_606 = vector.broadcast %eq3A_605 : i32 to vector<16xi32>
      %eq3A_607 = arith.cmpi eq, %select_n3A_604, %eq3A_606 : vector<16xi32>
      %broadcast_in_dim3A_608 = vector.broadcast %scan3A_20 : f32 to vector<16xf32>
      %select_n3A_609 = arith.select %eq3A_607, %broadcast_in_dim3A_608, %get3A_530 : vector<16xi1>, vector<16xf32>
      %eq3A_610 = arith.constant 1 : i32
      %eq3A_611 = vector.broadcast %eq3A_610 : i32 to vector<16xi32>
      %eq3A_612 = arith.cmpi eq, %select_n3A_604, %eq3A_611 : vector<16xi32>
      %broadcast_in_dim3A_613 = vector.broadcast %scan3A_20 : f32 to vector<16xf32>
      %select_n3A_614 = arith.select %eq3A_612, %broadcast_in_dim3A_613, %get3A_535 : vector<16xi1>, vector<16xf32>
      %eq3A_615 = arith.constant 2 : i32
      %eq3A_616 = vector.broadcast %eq3A_615 : i32 to vector<16xi32>
      %eq3A_617 = arith.cmpi eq, %select_n3A_604, %eq3A_616 : vector<16xi32>
      %broadcast_in_dim3A_618 = vector.broadcast %scan3A_20 : f32 to vector<16xf32>
      %select_n3A_619 = arith.select %eq3A_617, %broadcast_in_dim3A_618, %get3A_540 : vector<16xi1>, vector<16xf32>
      %eq3A_620 = arith.constant 3 : i32
      %eq3A_621 = vector.broadcast %eq3A_620 : i32 to vector<16xi32>
      %eq3A_622 = arith.cmpi eq, %select_n3A_604, %eq3A_621 : vector<16xi32>
      %broadcast_in_dim3A_623 = vector.broadcast %scan3A_20 : f32 to vector<16xf32>
      %select_n3A_624 = arith.select %eq3A_622, %broadcast_in_dim3A_623, %get3A_545 : vector<16xi1>, vector<16xf32>
      %eq3A_625 = arith.constant 4 : i32
      %eq3A_626 = vector.broadcast %eq3A_625 : i32 to vector<16xi32>
      %eq3A_627 = arith.cmpi eq, %select_n3A_604, %eq3A_626 : vector<16xi32>
      %broadcast_in_dim3A_628 = vector.broadcast %scan3A_20 : f32 to vector<16xf32>
      %select_n3A_629 = arith.select %eq3A_627, %broadcast_in_dim3A_628, %get3A_550 : vector<16xi1>, vector<16xf32>
      %eq3A_630 = arith.constant 5 : i32
      %eq3A_631 = vector.broadcast %eq3A_630 : i32 to vector<16xi32>
      %eq3A_632 = arith.cmpi eq, %select_n3A_604, %eq3A_631 : vector<16xi32>
      %broadcast_in_dim3A_633 = vector.broadcast %scan3A_20 : f32 to vector<16xf32>
      %select_n3A_634 = arith.select %eq3A_632, %broadcast_in_dim3A_633, %get3A_555 : vector<16xi1>, vector<16xf32>
      %eq3A_635 = arith.constant 6 : i32
      %eq3A_636 = vector.broadcast %eq3A_635 : i32 to vector<16xi32>
      %eq3A_637 = arith.cmpi eq, %select_n3A_604, %eq3A_636 : vector<16xi32>
      %broadcast_in_dim3A_638 = vector.broadcast %scan3A_20 : f32 to vector<16xf32>
      %select_n3A_639 = arith.select %eq3A_637, %broadcast_in_dim3A_638, %get3A_560 : vector<16xi1>, vector<16xf32>
      %eq3A_640 = arith.constant 7 : i32
      %eq3A_641 = vector.broadcast %eq3A_640 : i32 to vector<16xi32>
      %eq3A_642 = arith.cmpi eq, %select_n3A_604, %eq3A_641 : vector<16xi32>
      %broadcast_in_dim3A_643 = vector.broadcast %scan3A_20 : f32 to vector<16xf32>
      %select_n3A_644 = arith.select %eq3A_642, %broadcast_in_dim3A_643, %get3A_565 : vector<16xi1>, vector<16xf32>
      %max3A_645 = arith.maximumf %select_n3A_609, %select_n3A_614 : vector<16xf32>
      %max3A_646 = arith.maximumf %max3A_645, %select_n3A_619 : vector<16xf32>
      %max3A_647 = arith.maximumf %max3A_646, %select_n3A_624 : vector<16xf32>
      %max3A_648 = arith.maximumf %max3A_647, %select_n3A_629 : vector<16xf32>
      %max3A_649 = arith.maximumf %max3A_648, %select_n3A_634 : vector<16xf32>
      %max3A_650 = arith.maximumf %max3A_649, %select_n3A_639 : vector<16xf32>
      %max3A_651 = arith.maximumf %max3A_650, %select_n3A_644 : vector<16xf32>
      %eq3A_652 = arith.cmpf oeq, %select_n3A_644, %max3A_651 : vector<16xf32>
      %jit3A_653 = arith.constant 7 : i32
      %broadcast_in_dim3A_654 = vector.broadcast %jit3A_653 : i32 to vector<16xi32>
      %select_n3A_655 = arith.select %eq3A_652, %broadcast_in_dim3A_654, %broadcast_in_dim3A_19 : vector<16xi1>, vector<16xi32>
      %eq3A_656 = arith.cmpf oeq, %select_n3A_639, %max3A_651 : vector<16xf32>
      %jit3A_657 = arith.constant 6 : i32
      %broadcast_in_dim3A_658 = vector.broadcast %jit3A_657 : i32 to vector<16xi32>
      %select_n3A_659 = arith.select %eq3A_656, %broadcast_in_dim3A_658, %select_n3A_655 : vector<16xi1>, vector<16xi32>
      %eq3A_660 = arith.cmpf oeq, %select_n3A_634, %max3A_651 : vector<16xf32>
      %jit3A_661 = arith.constant 5 : i32
      %broadcast_in_dim3A_662 = vector.broadcast %jit3A_661 : i32 to vector<16xi32>
      %select_n3A_663 = arith.select %eq3A_660, %broadcast_in_dim3A_662, %select_n3A_659 : vector<16xi1>, vector<16xi32>
      %eq3A_664 = arith.cmpf oeq, %select_n3A_629, %max3A_651 : vector<16xf32>
      %jit3A_665 = arith.constant 4 : i32
      %broadcast_in_dim3A_666 = vector.broadcast %jit3A_665 : i32 to vector<16xi32>
      %select_n3A_667 = arith.select %eq3A_664, %broadcast_in_dim3A_666, %select_n3A_663 : vector<16xi1>, vector<16xi32>
      %eq3A_668 = arith.cmpf oeq, %select_n3A_624, %max3A_651 : vector<16xf32>
      %jit3A_669 = arith.constant 3 : i32
      %broadcast_in_dim3A_670 = vector.broadcast %jit3A_669 : i32 to vector<16xi32>
      %select_n3A_671 = arith.select %eq3A_668, %broadcast_in_dim3A_670, %select_n3A_667 : vector<16xi1>, vector<16xi32>
      %eq3A_672 = arith.cmpf oeq, %select_n3A_619, %max3A_651 : vector<16xf32>
      %jit3A_673 = arith.constant 2 : i32
      %broadcast_in_dim3A_674 = vector.broadcast %jit3A_673 : i32 to vector<16xi32>
      %select_n3A_675 = arith.select %eq3A_672, %broadcast_in_dim3A_674, %select_n3A_671 : vector<16xi1>, vector<16xi32>
      %eq3A_676 = arith.cmpf oeq, %select_n3A_614, %max3A_651 : vector<16xf32>
      %jit3A_677 = arith.constant 1 : i32
      %broadcast_in_dim3A_678 = vector.broadcast %jit3A_677 : i32 to vector<16xi32>
      %select_n3A_679 = arith.select %eq3A_676, %broadcast_in_dim3A_678, %select_n3A_675 : vector<16xi1>, vector<16xi32>
      %eq3A_680 = arith.cmpf oeq, %select_n3A_609, %max3A_651 : vector<16xf32>
      %jit3A_681 = arith.constant 0 : i32
      %broadcast_in_dim3A_682 = vector.broadcast %jit3A_681 : i32 to vector<16xi32>
      %select_n3A_683 = arith.select %eq3A_680, %broadcast_in_dim3A_682, %select_n3A_679 : vector<16xi1>, vector<16xi32>
      %abs3A_684 = math.absf %max3A_572 : vector<16xf32>
      %neg3A_685 = arith.constant 0.000000e+00 : f32
      %neg3A_686 = vector.broadcast %neg3A_685 : f32 to vector<16xf32>
      %neg3A_687 = arith.subf %neg3A_686, %abs3A_684 : vector<16xf32>
      %exp3A_688 = math.exp %neg3A_687 : vector<16xf32>
      %ge3A_689 = arith.constant 0.000000e+00 : f32
      %ge3A_690 = vector.broadcast %ge3A_689 : f32 to vector<16xf32>
      %ge3A_691 = arith.cmpf oge, %max3A_572, %ge3A_690 : vector<16xf32>
      %add3A_692 = arith.constant 1.000000e+00 : f32
      %add3A_693 = vector.broadcast %add3A_692 : f32 to vector<16xf32>
      %add3A_694 = arith.addf %add3A_693, %exp3A_688 : vector<16xf32>
      %div3A_695 = arith.constant 1.000000e+00 : f32
      %div3A_696 = vector.broadcast %div3A_695 : f32 to vector<16xf32>
      %div3A_697 = arith.divf %div3A_696, %add3A_694 : vector<16xf32>
      %add3A_698 = arith.constant 1.000000e+00 : f32
      %add3A_699 = vector.broadcast %add3A_698 : f32 to vector<16xf32>
      %add3A_700 = arith.addf %add3A_699, %exp3A_688 : vector<16xf32>
      %div3A_701 = arith.divf %exp3A_688, %add3A_700 : vector<16xf32>
      %select_n3A_702 = arith.select %ge3A_691, %div3A_697, %div3A_701 : vector<16xi1>, vector<16xf32>
      %abs3A_703 = math.absf %max3A_651 : vector<16xf32>
      %neg3A_704 = arith.constant 0.000000e+00 : f32
      %neg3A_705 = vector.broadcast %neg3A_704 : f32 to vector<16xf32>
      %neg3A_706 = arith.subf %neg3A_705, %abs3A_703 : vector<16xf32>
      %exp3A_707 = math.exp %neg3A_706 : vector<16xf32>
      %ge3A_708 = arith.constant 0.000000e+00 : f32
      %ge3A_709 = vector.broadcast %ge3A_708 : f32 to vector<16xf32>
      %ge3A_710 = arith.cmpf oge, %max3A_651, %ge3A_709 : vector<16xf32>
      %add3A_711 = arith.constant 1.000000e+00 : f32
      %add3A_712 = vector.broadcast %add3A_711 : f32 to vector<16xf32>
      %add3A_713 = arith.addf %add3A_712, %exp3A_707 : vector<16xf32>
      %div3A_714 = arith.constant 1.000000e+00 : f32
      %div3A_715 = vector.broadcast %div3A_714 : f32 to vector<16xf32>
      %div3A_716 = arith.divf %div3A_715, %add3A_713 : vector<16xf32>
      %add3A_717 = arith.constant 1.000000e+00 : f32
      %add3A_718 = vector.broadcast %add3A_717 : f32 to vector<16xf32>
      %add3A_719 = arith.addf %add3A_718, %exp3A_707 : vector<16xf32>
      %div3A_720 = arith.divf %exp3A_707, %add3A_719 : vector<16xf32>
      %select_n3A_721 = arith.select %ge3A_710, %div3A_716, %div3A_720 : vector<16xi1>, vector<16xf32>
      %add3A_722 = arith.addf %select_n3A_702, %select_n3A_721 : vector<16xf32>
      %mul3A_723 = arith.constant 128 : i32
      %mul3A_724 = arith.muli %scan3A_96, %mul3A_723 : i32
      %add3A_725 = arith.constant 32 : i32
      %add3A_726 = arith.addi %mul3A_724, %add3A_725 : i32
      %div3A_727 = arith.divf %select_n3A_702, %add3A_722 : vector<16xf32>
      %swap3A_728 = arith.index_cast %add3A_726 : i32 to index
      %swap3A_729 = tpu.vector_load %arg5[%swap3A_728] {strides = array<i32>} : memref<4096xf32, #tpu.memory_space<vmem>>, vector<16xf32>,
      tpu.vector_store %arg5[%swap3A_728], %div3A_727 {strides = array<i32>} : memref<4096xf32, #tpu.memory_space<vmem>>, vector<16xf32>,
      %div3A_730 = arith.divf %select_n3A_721, %add3A_722 : vector<16xf32>
      %add3A_731 = arith.constant 1024 : i32
      %add3A_732 = arith.addi %add3A_731, %add3A_726 : i32
      %swap3A_733 = arith.index_cast %add3A_732 : i32 to index
      %swap3A_734 = tpu.vector_load %arg5[%swap3A_733] {strides = array<i32>} : memref<4096xf32, #tpu.memory_space<vmem>>, vector<16xf32>,
      tpu.vector_store %arg5[%swap3A_733], %div3A_730 {strides = array<i32>} : memref<4096xf32, #tpu.memory_space<vmem>>, vector<16xf32>,
      %convert_element_type3A_735 = arith.sitofp %select_n3A_604 : vector<16xi32> to vector<16xf32>
      %add3A_736 = arith.constant 2048 : i32
      %add3A_737 = arith.addi %add3A_736, %add3A_726 : i32
      %swap3A_738 = arith.index_cast %add3A_737 : i32 to index
      %swap3A_739 = tpu.vector_load %arg5[%swap3A_738] {strides = array<i32>} : memref<4096xf32, #tpu.memory_space<vmem>>, vector<16xf32>,
      tpu.vector_store %arg5[%swap3A_738], %convert_element_type3A_735 {strides = array<i32>} : memref<4096xf32, #tpu.memory_space<vmem>>, vector<16xf32>,
      %convert_element_type3A_740 = arith.sitofp %select_n3A_683 : vector<16xi32> to vector<16xf32>
      %add3A_741 = arith.constant 3072 : i32
      %add3A_742 = arith.addi %add3A_741, %add3A_726 : i32
      %swap3A_743 = arith.index_cast %add3A_742 : i32 to index
      %swap3A_744 = tpu.vector_load %arg5[%swap3A_743] {strides = array<i32>} : memref<4096xf32, #tpu.memory_space<vmem>>, vector<16xf32>,
      tpu.vector_store %arg5[%swap3A_743], %convert_element_type3A_740 {strides = array<i32>} : memref<4096xf32, #tpu.memory_space<vmem>>, vector<16xf32>,
      %get3A_745 = arith.constant 0 : i32
      %get3A_746 = arith.index_cast %scan3A_96 : i32 to index
      %get3A_747 = arith.index_cast %get3A_745 : i32 to index
      %get3A_748 = arith.constant 48 : index
      %get3A_749 = tpu.vector_load %arg4[%get3A_746, %get3A_747, %get3A_748] {strides = array<i32>} : memref<8x8x128xf32, #tpu.memory_space<vmem>>, vector<16xf32>,
      %get3A_750 = arith.constant 1 : i32
      %get3A_751 = arith.index_cast %scan3A_96 : i32 to index
      %get3A_752 = arith.index_cast %get3A_750 : i32 to index
      %get3A_753 = arith.constant 48 : index
      %get3A_754 = tpu.vector_load %arg4[%get3A_751, %get3A_752, %get3A_753] {strides = array<i32>} : memref<8x8x128xf32, #tpu.memory_space<vmem>>, vector<16xf32>,
      %get3A_755 = arith.constant 2 : i32
      %get3A_756 = arith.index_cast %scan3A_96 : i32 to index
      %get3A_757 = arith.index_cast %get3A_755 : i32 to index
      %get3A_758 = arith.constant 48 : index
      %get3A_759 = tpu.vector_load %arg4[%get3A_756, %get3A_757, %get3A_758] {strides = array<i32>} : memref<8x8x128xf32, #tpu.memory_space<vmem>>, vector<16xf32>,
      %get3A_760 = arith.constant 3 : i32
      %get3A_761 = arith.index_cast %scan3A_96 : i32 to index
      %get3A_762 = arith.index_cast %get3A_760 : i32 to index
      %get3A_763 = arith.constant 48 : index
      %get3A_764 = tpu.vector_load %arg4[%get3A_761, %get3A_762, %get3A_763] {strides = array<i32>} : memref<8x8x128xf32, #tpu.memory_space<vmem>>, vector<16xf32>,
      %get3A_765 = arith.constant 4 : i32
      %get3A_766 = arith.index_cast %scan3A_96 : i32 to index
      %get3A_767 = arith.index_cast %get3A_765 : i32 to index
      %get3A_768 = arith.constant 48 : index
      %get3A_769 = tpu.vector_load %arg4[%get3A_766, %get3A_767, %get3A_768] {strides = array<i32>} : memref<8x8x128xf32, #tpu.memory_space<vmem>>, vector<16xf32>,
      %get3A_770 = arith.constant 5 : i32
      %get3A_771 = arith.index_cast %scan3A_96 : i32 to index
      %get3A_772 = arith.index_cast %get3A_770 : i32 to index
      %get3A_773 = arith.constant 48 : index
      %get3A_774 = tpu.vector_load %arg4[%get3A_771, %get3A_772, %get3A_773] {strides = array<i32>} : memref<8x8x128xf32, #tpu.memory_space<vmem>>, vector<16xf32>,
      %get3A_775 = arith.constant 6 : i32
      %get3A_776 = arith.index_cast %scan3A_96 : i32 to index
      %get3A_777 = arith.index_cast %get3A_775 : i32 to index
      %get3A_778 = arith.constant 48 : index
      %get3A_779 = tpu.vector_load %arg4[%get3A_776, %get3A_777, %get3A_778] {strides = array<i32>} : memref<8x8x128xf32, #tpu.memory_space<vmem>>, vector<16xf32>,
      %get3A_780 = arith.constant 7 : i32
      %get3A_781 = arith.index_cast %scan3A_96 : i32 to index
      %get3A_782 = arith.index_cast %get3A_780 : i32 to index
      %get3A_783 = arith.constant 48 : index
      %get3A_784 = tpu.vector_load %arg4[%get3A_781, %get3A_782, %get3A_783] {strides = array<i32>} : memref<8x8x128xf32, #tpu.memory_space<vmem>>, vector<16xf32>,
      %max3A_785 = arith.maximumf %get3A_749, %get3A_754 : vector<16xf32>
      %max3A_786 = arith.maximumf %max3A_785, %get3A_759 : vector<16xf32>
      %max3A_787 = arith.maximumf %max3A_786, %get3A_764 : vector<16xf32>
      %max3A_788 = arith.maximumf %max3A_787, %get3A_769 : vector<16xf32>
      %max3A_789 = arith.maximumf %max3A_788, %get3A_774 : vector<16xf32>
      %max3A_790 = arith.maximumf %max3A_789, %get3A_779 : vector<16xf32>
      %max3A_791 = arith.maximumf %max3A_790, %get3A_784 : vector<16xf32>
      %eq3A_792 = arith.cmpf oeq, %get3A_784, %max3A_791 : vector<16xf32>
      %jit3A_793 = arith.constant 7 : i32
      %broadcast_in_dim3A_794 = vector.broadcast %jit3A_793 : i32 to vector<16xi32>
      %select_n3A_795 = arith.select %eq3A_792, %broadcast_in_dim3A_794, %broadcast_in_dim3A_19 : vector<16xi1>, vector<16xi32>
      %eq3A_796 = arith.cmpf oeq, %get3A_779, %max3A_791 : vector<16xf32>
      %jit3A_797 = arith.constant 6 : i32
      %broadcast_in_dim3A_798 = vector.broadcast %jit3A_797 : i32 to vector<16xi32>
      %select_n3A_799 = arith.select %eq3A_796, %broadcast_in_dim3A_798, %select_n3A_795 : vector<16xi1>, vector<16xi32>
      %eq3A_800 = arith.cmpf oeq, %get3A_774, %max3A_791 : vector<16xf32>
      %jit3A_801 = arith.constant 5 : i32
      %broadcast_in_dim3A_802 = vector.broadcast %jit3A_801 : i32 to vector<16xi32>
      %select_n3A_803 = arith.select %eq3A_800, %broadcast_in_dim3A_802, %select_n3A_799 : vector<16xi1>, vector<16xi32>
      %eq3A_804 = arith.cmpf oeq, %get3A_769, %max3A_791 : vector<16xf32>
      %jit3A_805 = arith.constant 4 : i32
      %broadcast_in_dim3A_806 = vector.broadcast %jit3A_805 : i32 to vector<16xi32>
      %select_n3A_807 = arith.select %eq3A_804, %broadcast_in_dim3A_806, %select_n3A_803 : vector<16xi1>, vector<16xi32>
      %eq3A_808 = arith.cmpf oeq, %get3A_764, %max3A_791 : vector<16xf32>
      %jit3A_809 = arith.constant 3 : i32
      %broadcast_in_dim3A_810 = vector.broadcast %jit3A_809 : i32 to vector<16xi32>
      %select_n3A_811 = arith.select %eq3A_808, %broadcast_in_dim3A_810, %select_n3A_807 : vector<16xi1>, vector<16xi32>
      %eq3A_812 = arith.cmpf oeq, %get3A_759, %max3A_791 : vector<16xf32>
      %jit3A_813 = arith.constant 2 : i32
      %broadcast_in_dim3A_814 = vector.broadcast %jit3A_813 : i32 to vector<16xi32>
      %select_n3A_815 = arith.select %eq3A_812, %broadcast_in_dim3A_814, %select_n3A_811 : vector<16xi1>, vector<16xi32>
      %eq3A_816 = arith.cmpf oeq, %get3A_754, %max3A_791 : vector<16xf32>
      %jit3A_817 = arith.constant 1 : i32
      %broadcast_in_dim3A_818 = vector.broadcast %jit3A_817 : i32 to vector<16xi32>
      %select_n3A_819 = arith.select %eq3A_816, %broadcast_in_dim3A_818, %select_n3A_815 : vector<16xi1>, vector<16xi32>
      %eq3A_820 = arith.cmpf oeq, %get3A_749, %max3A_791 : vector<16xf32>
      %jit3A_821 = arith.constant 0 : i32
      %broadcast_in_dim3A_822 = vector.broadcast %jit3A_821 : i32 to vector<16xi32>
      %select_n3A_823 = arith.select %eq3A_820, %broadcast_in_dim3A_822, %select_n3A_819 : vector<16xi1>, vector<16xi32>
      %eq3A_824 = arith.constant 0 : i32
      %eq3A_825 = vector.broadcast %eq3A_824 : i32 to vector<16xi32>
      %eq3A_826 = arith.cmpi eq, %select_n3A_823, %eq3A_825 : vector<16xi32>
      %broadcast_in_dim3A_827 = vector.broadcast %scan3A_20 : f32 to vector<16xf32>
      %select_n3A_828 = arith.select %eq3A_826, %broadcast_in_dim3A_827, %get3A_749 : vector<16xi1>, vector<16xf32>
      %eq3A_829 = arith.constant 1 : i32
      %eq3A_830 = vector.broadcast %eq3A_829 : i32 to vector<16xi32>
      %eq3A_831 = arith.cmpi eq, %select_n3A_823, %eq3A_830 : vector<16xi32>
      %broadcast_in_dim3A_832 = vector.broadcast %scan3A_20 : f32 to vector<16xf32>
      %select_n3A_833 = arith.select %eq3A_831, %broadcast_in_dim3A_832, %get3A_754 : vector<16xi1>, vector<16xf32>
      %eq3A_834 = arith.constant 2 : i32
      %eq3A_835 = vector.broadcast %eq3A_834 : i32 to vector<16xi32>
      %eq3A_836 = arith.cmpi eq, %select_n3A_823, %eq3A_835 : vector<16xi32>
      %broadcast_in_dim3A_837 = vector.broadcast %scan3A_20 : f32 to vector<16xf32>
      %select_n3A_838 = arith.select %eq3A_836, %broadcast_in_dim3A_837, %get3A_759 : vector<16xi1>, vector<16xf32>
      %eq3A_839 = arith.constant 3 : i32
      %eq3A_840 = vector.broadcast %eq3A_839 : i32 to vector<16xi32>
      %eq3A_841 = arith.cmpi eq, %select_n3A_823, %eq3A_840 : vector<16xi32>
      %broadcast_in_dim3A_842 = vector.broadcast %scan3A_20 : f32 to vector<16xf32>
      %select_n3A_843 = arith.select %eq3A_841, %broadcast_in_dim3A_842, %get3A_764 : vector<16xi1>, vector<16xf32>
      %eq3A_844 = arith.constant 4 : i32
      %eq3A_845 = vector.broadcast %eq3A_844 : i32 to vector<16xi32>
      %eq3A_846 = arith.cmpi eq, %select_n3A_823, %eq3A_845 : vector<16xi32>
      %broadcast_in_dim3A_847 = vector.broadcast %scan3A_20 : f32 to vector<16xf32>
      %select_n3A_848 = arith.select %eq3A_846, %broadcast_in_dim3A_847, %get3A_769 : vector<16xi1>, vector<16xf32>
      %eq3A_849 = arith.constant 5 : i32
      %eq3A_850 = vector.broadcast %eq3A_849 : i32 to vector<16xi32>
      %eq3A_851 = arith.cmpi eq, %select_n3A_823, %eq3A_850 : vector<16xi32>
      %broadcast_in_dim3A_852 = vector.broadcast %scan3A_20 : f32 to vector<16xf32>
      %select_n3A_853 = arith.select %eq3A_851, %broadcast_in_dim3A_852, %get3A_774 : vector<16xi1>, vector<16xf32>
      %eq3A_854 = arith.constant 6 : i32
      %eq3A_855 = vector.broadcast %eq3A_854 : i32 to vector<16xi32>
      %eq3A_856 = arith.cmpi eq, %select_n3A_823, %eq3A_855 : vector<16xi32>
      %broadcast_in_dim3A_857 = vector.broadcast %scan3A_20 : f32 to vector<16xf32>
      %select_n3A_858 = arith.select %eq3A_856, %broadcast_in_dim3A_857, %get3A_779 : vector<16xi1>, vector<16xf32>
      %eq3A_859 = arith.constant 7 : i32
      %eq3A_860 = vector.broadcast %eq3A_859 : i32 to vector<16xi32>
      %eq3A_861 = arith.cmpi eq, %select_n3A_823, %eq3A_860 : vector<16xi32>
      %broadcast_in_dim3A_862 = vector.broadcast %scan3A_20 : f32 to vector<16xf32>
      %select_n3A_863 = arith.select %eq3A_861, %broadcast_in_dim3A_862, %get3A_784 : vector<16xi1>, vector<16xf32>
      %max3A_864 = arith.maximumf %select_n3A_828, %select_n3A_833 : vector<16xf32>
      %max3A_865 = arith.maximumf %max3A_864, %select_n3A_838 : vector<16xf32>
      %max3A_866 = arith.maximumf %max3A_865, %select_n3A_843 : vector<16xf32>
      %max3A_867 = arith.maximumf %max3A_866, %select_n3A_848 : vector<16xf32>
      %max3A_868 = arith.maximumf %max3A_867, %select_n3A_853 : vector<16xf32>
      %max3A_869 = arith.maximumf %max3A_868, %select_n3A_858 : vector<16xf32>
      %max3A_870 = arith.maximumf %max3A_869, %select_n3A_863 : vector<16xf32>
      %eq3A_871 = arith.cmpf oeq, %select_n3A_863, %max3A_870 : vector<16xf32>
      %jit3A_872 = arith.constant 7 : i32
      %broadcast_in_dim3A_873 = vector.broadcast %jit3A_872 : i32 to vector<16xi32>
      %select_n3A_874 = arith.select %eq3A_871, %broadcast_in_dim3A_873, %broadcast_in_dim3A_19 : vector<16xi1>, vector<16xi32>
      %eq3A_875 = arith.cmpf oeq, %select_n3A_858, %max3A_870 : vector<16xf32>
      %jit3A_876 = arith.constant 6 : i32
      %broadcast_in_dim3A_877 = vector.broadcast %jit3A_876 : i32 to vector<16xi32>
      %select_n3A_878 = arith.select %eq3A_875, %broadcast_in_dim3A_877, %select_n3A_874 : vector<16xi1>, vector<16xi32>
      %eq3A_879 = arith.cmpf oeq, %select_n3A_853, %max3A_870 : vector<16xf32>
      %jit3A_880 = arith.constant 5 : i32
      %broadcast_in_dim3A_881 = vector.broadcast %jit3A_880 : i32 to vector<16xi32>
      %select_n3A_882 = arith.select %eq3A_879, %broadcast_in_dim3A_881, %select_n3A_878 : vector<16xi1>, vector<16xi32>
      %eq3A_883 = arith.cmpf oeq, %select_n3A_848, %max3A_870 : vector<16xf32>
      %jit3A_884 = arith.constant 4 : i32
      %broadcast_in_dim3A_885 = vector.broadcast %jit3A_884 : i32 to vector<16xi32>
      %select_n3A_886 = arith.select %eq3A_883, %broadcast_in_dim3A_885, %select_n3A_882 : vector<16xi1>, vector<16xi32>
      %eq3A_887 = arith.cmpf oeq, %select_n3A_843, %max3A_870 : vector<16xf32>
      %jit3A_888 = arith.constant 3 : i32
      %broadcast_in_dim3A_889 = vector.broadcast %jit3A_888 : i32 to vector<16xi32>
      %select_n3A_890 = arith.select %eq3A_887, %broadcast_in_dim3A_889, %select_n3A_886 : vector<16xi1>, vector<16xi32>
      %eq3A_891 = arith.cmpf oeq, %select_n3A_838, %max3A_870 : vector<16xf32>
      %jit3A_892 = arith.constant 2 : i32
      %broadcast_in_dim3A_893 = vector.broadcast %jit3A_892 : i32 to vector<16xi32>
      %select_n3A_894 = arith.select %eq3A_891, %broadcast_in_dim3A_893, %select_n3A_890 : vector<16xi1>, vector<16xi32>
      %eq3A_895 = arith.cmpf oeq, %select_n3A_833, %max3A_870 : vector<16xf32>
      %jit3A_896 = arith.constant 1 : i32
      %broadcast_in_dim3A_897 = vector.broadcast %jit3A_896 : i32 to vector<16xi32>
      %select_n3A_898 = arith.select %eq3A_895, %broadcast_in_dim3A_897, %select_n3A_894 : vector<16xi1>, vector<16xi32>
      %eq3A_899 = arith.cmpf oeq, %select_n3A_828, %max3A_870 : vector<16xf32>
      %jit3A_900 = arith.constant 0 : i32
      %broadcast_in_dim3A_901 = vector.broadcast %jit3A_900 : i32 to vector<16xi32>
      %select_n3A_902 = arith.select %eq3A_899, %broadcast_in_dim3A_901, %select_n3A_898 : vector<16xi1>, vector<16xi32>
      %abs3A_903 = math.absf %max3A_791 : vector<16xf32>
      %neg3A_904 = arith.constant 0.000000e+00 : f32
      %neg3A_905 = vector.broadcast %neg3A_904 : f32 to vector<16xf32>
      %neg3A_906 = arith.subf %neg3A_905, %abs3A_903 : vector<16xf32>
      %exp3A_907 = math.exp %neg3A_906 : vector<16xf32>
      %ge3A_908 = arith.constant 0.000000e+00 : f32
      %ge3A_909 = vector.broadcast %ge3A_908 : f32 to vector<16xf32>
      %ge3A_910 = arith.cmpf oge, %max3A_791, %ge3A_909 : vector<16xf32>
      %add3A_911 = arith.constant 1.000000e+00 : f32
      %add3A_912 = vector.broadcast %add3A_911 : f32 to vector<16xf32>
      %add3A_913 = arith.addf %add3A_912, %exp3A_907 : vector<16xf32>
      %div3A_914 = arith.constant 1.000000e+00 : f32
      %div3A_915 = vector.broadcast %div3A_914 : f32 to vector<16xf32>
      %div3A_916 = arith.divf %div3A_915, %add3A_913 : vector<16xf32>
      %add3A_917 = arith.constant 1.000000e+00 : f32
      %add3A_918 = vector.broadcast %add3A_917 : f32 to vector<16xf32>
      %add3A_919 = arith.addf %add3A_918, %exp3A_907 : vector<16xf32>
      %div3A_920 = arith.divf %exp3A_907, %add3A_919 : vector<16xf32>
      %select_n3A_921 = arith.select %ge3A_910, %div3A_916, %div3A_920 : vector<16xi1>, vector<16xf32>
      %abs3A_922 = math.absf %max3A_870 : vector<16xf32>
      %neg3A_923 = arith.constant 0.000000e+00 : f32
      %neg3A_924 = vector.broadcast %neg3A_923 : f32 to vector<16xf32>
      %neg3A_925 = arith.subf %neg3A_924, %abs3A_922 : vector<16xf32>
      %exp3A_926 = math.exp %neg3A_925 : vector<16xf32>
      %ge3A_927 = arith.constant 0.000000e+00 : f32
      %ge3A_928 = vector.broadcast %ge3A_927 : f32 to vector<16xf32>
      %ge3A_929 = arith.cmpf oge, %max3A_870, %ge3A_928 : vector<16xf32>
      %add3A_930 = arith.constant 1.000000e+00 : f32
      %add3A_931 = vector.broadcast %add3A_930 : f32 to vector<16xf32>
      %add3A_932 = arith.addf %add3A_931, %exp3A_926 : vector<16xf32>
      %div3A_933 = arith.constant 1.000000e+00 : f32
      %div3A_934 = vector.broadcast %div3A_933 : f32 to vector<16xf32>
      %div3A_935 = arith.divf %div3A_934, %add3A_932 : vector<16xf32>
      %add3A_936 = arith.constant 1.000000e+00 : f32
      %add3A_937 = vector.broadcast %add3A_936 : f32 to vector<16xf32>
      %add3A_938 = arith.addf %add3A_937, %exp3A_926 : vector<16xf32>
      %div3A_939 = arith.divf %exp3A_926, %add3A_938 : vector<16xf32>
      %select_n3A_940 = arith.select %ge3A_929, %div3A_935, %div3A_939 : vector<16xi1>, vector<16xf32>
      %add3A_941 = arith.addf %select_n3A_921, %select_n3A_940 : vector<16xf32>
      %mul3A_942 = arith.constant 128 : i32
      %mul3A_943 = arith.muli %scan3A_96, %mul3A_942 : i32
      %add3A_944 = arith.constant 48 : i32
      %add3A_945 = arith.addi %mul3A_943, %add3A_944 : i32
      %div3A_946 = arith.divf %select_n3A_921, %add3A_941 : vector<16xf32>
      %swap3A_947 = arith.index_cast %add3A_945 : i32 to index
      %swap3A_948 = tpu.vector_load %arg5[%swap3A_947] {strides = array<i32>} : memref<4096xf32, #tpu.memory_space<vmem>>, vector<16xf32>,
      tpu.vector_store %arg5[%swap3A_947], %div3A_946 {strides = array<i32>} : memref<4096xf32, #tpu.memory_space<vmem>>, vector<16xf32>,
      %div3A_949 = arith.divf %select_n3A_940, %add3A_941 : vector<16xf32>
      %add3A_950 = arith.constant 1024 : i32
      %add3A_951 = arith.addi %add3A_950, %add3A_945 : i32
      %swap3A_952 = arith.index_cast %add3A_951 : i32 to index
      %swap3A_953 = tpu.vector_load %arg5[%swap3A_952] {strides = array<i32>} : memref<4096xf32, #tpu.memory_space<vmem>>, vector<16xf32>,
      tpu.vector_store %arg5[%swap3A_952], %div3A_949 {strides = array<i32>} : memref<4096xf32, #tpu.memory_space<vmem>>, vector<16xf32>,
      %convert_element_type3A_954 = arith.sitofp %select_n3A_823 : vector<16xi32> to vector<16xf32>
      %add3A_955 = arith.constant 2048 : i32
      %add3A_956 = arith.addi %add3A_955, %add3A_945 : i32
      %swap3A_957 = arith.index_cast %add3A_956 : i32 to index
      %swap3A_958 = tpu.vector_load %arg5[%swap3A_957] {strides = array<i32>} : memref<4096xf32, #tpu.memory_space<vmem>>, vector<16xf32>,
      tpu.vector_store %arg5[%swap3A_957], %convert_element_type3A_954 {strides = array<i32>} : memref<4096xf32, #tpu.memory_space<vmem>>, vector<16xf32>,
      %convert_element_type3A_959 = arith.sitofp %select_n3A_902 : vector<16xi32> to vector<16xf32>
      %add3A_960 = arith.constant 3072 : i32
      %add3A_961 = arith.addi %add3A_960, %add3A_945 : i32
      %swap3A_962 = arith.index_cast %add3A_961 : i32 to index
      %swap3A_963 = tpu.vector_load %arg5[%swap3A_962] {strides = array<i32>} : memref<4096xf32, #tpu.memory_space<vmem>>, vector<16xf32>,
      tpu.vector_store %arg5[%swap3A_962], %convert_element_type3A_959 {strides = array<i32>} : memref<4096xf32, #tpu.memory_space<vmem>>, vector<16xf32>,
      %get3A_964 = arith.constant 0 : i32
      %get3A_965 = arith.index_cast %scan3A_96 : i32 to index
      %get3A_966 = arith.index_cast %get3A_964 : i32 to index
      %get3A_967 = arith.constant 64 : index
      %get3A_968 = tpu.vector_load %arg4[%get3A_965, %get3A_966, %get3A_967] {strides = array<i32>} : memref<8x8x128xf32, #tpu.memory_space<vmem>>, vector<16xf32>,
      %get3A_969 = arith.constant 1 : i32
      %get3A_970 = arith.index_cast %scan3A_96 : i32 to index
      %get3A_971 = arith.index_cast %get3A_969 : i32 to index
      %get3A_972 = arith.constant 64 : index
      %get3A_973 = tpu.vector_load %arg4[%get3A_970, %get3A_971, %get3A_972] {strides = array<i32>} : memref<8x8x128xf32, #tpu.memory_space<vmem>>, vector<16xf32>,
      %get3A_974 = arith.constant 2 : i32
      %get3A_975 = arith.index_cast %scan3A_96 : i32 to index
      %get3A_976 = arith.index_cast %get3A_974 : i32 to index
      %get3A_977 = arith.constant 64 : index
      %get3A_978 = tpu.vector_load %arg4[%get3A_975, %get3A_976, %get3A_977] {strides = array<i32>} : memref<8x8x128xf32, #tpu.memory_space<vmem>>, vector<16xf32>,
      %get3A_979 = arith.constant 3 : i32
      %get3A_980 = arith.index_cast %scan3A_96 : i32 to index
      %get3A_981 = arith.index_cast %get3A_979 : i32 to index
      %get3A_982 = arith.constant 64 : index
      %get3A_983 = tpu.vector_load %arg4[%get3A_980, %get3A_981, %get3A_982] {strides = array<i32>} : memref<8x8x128xf32, #tpu.memory_space<vmem>>, vector<16xf32>,
      %get3A_984 = arith.constant 4 : i32
      %get3A_985 = arith.index_cast %scan3A_96 : i32 to index
      %get3A_986 = arith.index_cast %get3A_984 : i32 to index
      %get3A_987 = arith.constant 64 : index
      %get3A_988 = tpu.vector_load %arg4[%get3A_985, %get3A_986, %get3A_987] {strides = array<i32>} : memref<8x8x128xf32, #tpu.memory_space<vmem>>, vector<16xf32>,
      %get3A_989 = arith.constant 5 : i32
      %get3A_990 = arith.index_cast %scan3A_96 : i32 to index
      %get3A_991 = arith.index_cast %get3A_989 : i32 to index
      %get3A_992 = arith.constant 64 : index
      %get3A_993 = tpu.vector_load %arg4[%get3A_990, %get3A_991, %get3A_992] {strides = array<i32>} : memref<8x8x128xf32, #tpu.memory_space<vmem>>, vector<16xf32>,
      %get3A_994 = arith.constant 6 : i32
      %get3A_995 = arith.index_cast %scan3A_96 : i32 to index
      %get3A_996 = arith.index_cast %get3A_994 : i32 to index
      %get3A_997 = arith.constant 64 : index
      %get3A_998 = tpu.vector_load %arg4[%get3A_995, %get3A_996, %get3A_997] {strides = array<i32>} : memref<8x8x128xf32, #tpu.memory_space<vmem>>, vector<16xf32>,
      %get3A_999 = arith.constant 7 : i32
      %get3A_1000 = arith.index_cast %scan3A_96 : i32 to index
      %get3A_1001 = arith.index_cast %get3A_999 : i32 to index
      %get3A_1002 = arith.constant 64 : index
      %get3A_1003 = tpu.vector_load %arg4[%get3A_1000, %get3A_1001, %get3A_1002] {strides = array<i32>} : memref<8x8x128xf32, #tpu.memory_space<vmem>>, vector<16xf32>,
      %max3A_1004 = arith.maximumf %get3A_968, %get3A_973 : vector<16xf32>
      %max3A_1005 = arith.maximumf %max3A_1004, %get3A_978 : vector<16xf32>
      %max3A_1006 = arith.maximumf %max3A_1005, %get3A_983 : vector<16xf32>
      %max3A_1007 = arith.maximumf %max3A_1006, %get3A_988 : vector<16xf32>
      %max3A_1008 = arith.maximumf %max3A_1007, %get3A_993 : vector<16xf32>
      %max3A_1009 = arith.maximumf %max3A_1008, %get3A_998 : vector<16xf32>
      %max3A_1010 = arith.maximumf %max3A_1009, %get3A_1003 : vector<16xf32>
      %eq3A_1011 = arith.cmpf oeq, %get3A_1003, %max3A_1010 : vector<16xf32>
      %jit3A_1012 = arith.constant 7 : i32
      %broadcast_in_dim3A_1013 = vector.broadcast %jit3A_1012 : i32 to vector<16xi32>
      %select_n3A_1014 = arith.select %eq3A_1011, %broadcast_in_dim3A_1013, %broadcast_in_dim3A_19 : vector<16xi1>, vector<16xi32>
      %eq3A_1015 = arith.cmpf oeq, %get3A_998, %max3A_1010 : vector<16xf32>
      %jit3A_1016 = arith.constant 6 : i32
      %broadcast_in_dim3A_1017 = vector.broadcast %jit3A_1016 : i32 to vector<16xi32>
      %select_n3A_1018 = arith.select %eq3A_1015, %broadcast_in_dim3A_1017, %select_n3A_1014 : vector<16xi1>, vector<16xi32>
      %eq3A_1019 = arith.cmpf oeq, %get3A_993, %max3A_1010 : vector<16xf32>
      %jit3A_1020 = arith.constant 5 : i32
      %broadcast_in_dim3A_1021 = vector.broadcast %jit3A_1020 : i32 to vector<16xi32>
      %select_n3A_1022 = arith.select %eq3A_1019, %broadcast_in_dim3A_1021, %select_n3A_1018 : vector<16xi1>, vector<16xi32>
      %eq3A_1023 = arith.cmpf oeq, %get3A_988, %max3A_1010 : vector<16xf32>
      %jit3A_1024 = arith.constant 4 : i32
      %broadcast_in_dim3A_1025 = vector.broadcast %jit3A_1024 : i32 to vector<16xi32>
      %select_n3A_1026 = arith.select %eq3A_1023, %broadcast_in_dim3A_1025, %select_n3A_1022 : vector<16xi1>, vector<16xi32>
      %eq3A_1027 = arith.cmpf oeq, %get3A_983, %max3A_1010 : vector<16xf32>
      %jit3A_1028 = arith.constant 3 : i32
      %broadcast_in_dim3A_1029 = vector.broadcast %jit3A_1028 : i32 to vector<16xi32>
      %select_n3A_1030 = arith.select %eq3A_1027, %broadcast_in_dim3A_1029, %select_n3A_1026 : vector<16xi1>, vector<16xi32>
      %eq3A_1031 = arith.cmpf oeq, %get3A_978, %max3A_1010 : vector<16xf32>
      %jit3A_1032 = arith.constant 2 : i32
      %broadcast_in_dim3A_1033 = vector.broadcast %jit3A_1032 : i32 to vector<16xi32>
      %select_n3A_1034 = arith.select %eq3A_1031, %broadcast_in_dim3A_1033, %select_n3A_1030 : vector<16xi1>, vector<16xi32>
      %eq3A_1035 = arith.cmpf oeq, %get3A_973, %max3A_1010 : vector<16xf32>
      %jit3A_1036 = arith.constant 1 : i32
      %broadcast_in_dim3A_1037 = vector.broadcast %jit3A_1036 : i32 to vector<16xi32>
      %select_n3A_1038 = arith.select %eq3A_1035, %broadcast_in_dim3A_1037, %select_n3A_1034 : vector<16xi1>, vector<16xi32>
      %eq3A_1039 = arith.cmpf oeq, %get3A_968, %max3A_1010 : vector<16xf32>
      %jit3A_1040 = arith.constant 0 : i32
      %broadcast_in_dim3A_1041 = vector.broadcast %jit3A_1040 : i32 to vector<16xi32>
      %select_n3A_1042 = arith.select %eq3A_1039, %broadcast_in_dim3A_1041, %select_n3A_1038 : vector<16xi1>, vector<16xi32>
      %eq3A_1043 = arith.constant 0 : i32
      %eq3A_1044 = vector.broadcast %eq3A_1043 : i32 to vector<16xi32>
      %eq3A_1045 = arith.cmpi eq, %select_n3A_1042, %eq3A_1044 : vector<16xi32>
      %broadcast_in_dim3A_1046 = vector.broadcast %scan3A_20 : f32 to vector<16xf32>
      %select_n3A_1047 = arith.select %eq3A_1045, %broadcast_in_dim3A_1046, %get3A_968 : vector<16xi1>, vector<16xf32>
      %eq3A_1048 = arith.constant 1 : i32
      %eq3A_1049 = vector.broadcast %eq3A_1048 : i32 to vector<16xi32>
      %eq3A_1050 = arith.cmpi eq, %select_n3A_1042, %eq3A_1049 : vector<16xi32>
      %broadcast_in_dim3A_1051 = vector.broadcast %scan3A_20 : f32 to vector<16xf32>
      %select_n3A_1052 = arith.select %eq3A_1050, %broadcast_in_dim3A_1051, %get3A_973 : vector<16xi1>, vector<16xf32>
      %eq3A_1053 = arith.constant 2 : i32
      %eq3A_1054 = vector.broadcast %eq3A_1053 : i32 to vector<16xi32>
      %eq3A_1055 = arith.cmpi eq, %select_n3A_1042, %eq3A_1054 : vector<16xi32>
      %broadcast_in_dim3A_1056 = vector.broadcast %scan3A_20 : f32 to vector<16xf32>
      %select_n3A_1057 = arith.select %eq3A_1055, %broadcast_in_dim3A_1056, %get3A_978 : vector<16xi1>, vector<16xf32>
      %eq3A_1058 = arith.constant 3 : i32
      %eq3A_1059 = vector.broadcast %eq3A_1058 : i32 to vector<16xi32>
      %eq3A_1060 = arith.cmpi eq, %select_n3A_1042, %eq3A_1059 : vector<16xi32>
      %broadcast_in_dim3A_1061 = vector.broadcast %scan3A_20 : f32 to vector<16xf32>
      %select_n3A_1062 = arith.select %eq3A_1060, %broadcast_in_dim3A_1061, %get3A_983 : vector<16xi1>, vector<16xf32>
      %eq3A_1063 = arith.constant 4 : i32
      %eq3A_1064 = vector.broadcast %eq3A_1063 : i32 to vector<16xi32>
      %eq3A_1065 = arith.cmpi eq, %select_n3A_1042, %eq3A_1064 : vector<16xi32>
      %broadcast_in_dim3A_1066 = vector.broadcast %scan3A_20 : f32 to vector<16xf32>
      %select_n3A_1067 = arith.select %eq3A_1065, %broadcast_in_dim3A_1066, %get3A_988 : vector<16xi1>, vector<16xf32>
      %eq3A_1068 = arith.constant 5 : i32
      %eq3A_1069 = vector.broadcast %eq3A_1068 : i32 to vector<16xi32>
      %eq3A_1070 = arith.cmpi eq, %select_n3A_1042, %eq3A_1069 : vector<16xi32>
      %broadcast_in_dim3A_1071 = vector.broadcast %scan3A_20 : f32 to vector<16xf32>
      %select_n3A_1072 = arith.select %eq3A_1070, %broadcast_in_dim3A_1071, %get3A_993 : vector<16xi1>, vector<16xf32>
      %eq3A_1073 = arith.constant 6 : i32
      %eq3A_1074 = vector.broadcast %eq3A_1073 : i32 to vector<16xi32>
      %eq3A_1075 = arith.cmpi eq, %select_n3A_1042, %eq3A_1074 : vector<16xi32>
      %broadcast_in_dim3A_1076 = vector.broadcast %scan3A_20 : f32 to vector<16xf32>
      %select_n3A_1077 = arith.select %eq3A_1075, %broadcast_in_dim3A_1076, %get3A_998 : vector<16xi1>, vector<16xf32>
      %eq3A_1078 = arith.constant 7 : i32
      %eq3A_1079 = vector.broadcast %eq3A_1078 : i32 to vector<16xi32>
      %eq3A_1080 = arith.cmpi eq, %select_n3A_1042, %eq3A_1079 : vector<16xi32>
      %broadcast_in_dim3A_1081 = vector.broadcast %scan3A_20 : f32 to vector<16xf32>
      %select_n3A_1082 = arith.select %eq3A_1080, %broadcast_in_dim3A_1081, %get3A_1003 : vector<16xi1>, vector<16xf32>
      %max3A_1083 = arith.maximumf %select_n3A_1047, %select_n3A_1052 : vector<16xf32>
      %max3A_1084 = arith.maximumf %max3A_1083, %select_n3A_1057 : vector<16xf32>
      %max3A_1085 = arith.maximumf %max3A_1084, %select_n3A_1062 : vector<16xf32>
      %max3A_1086 = arith.maximumf %max3A_1085, %select_n3A_1067 : vector<16xf32>
      %max3A_1087 = arith.maximumf %max3A_1086, %select_n3A_1072 : vector<16xf32>
      %max3A_1088 = arith.maximumf %max3A_1087, %select_n3A_1077 : vector<16xf32>
      %max3A_1089 = arith.maximumf %max3A_1088, %select_n3A_1082 : vector<16xf32>
      %eq3A_1090 = arith.cmpf oeq, %select_n3A_1082, %max3A_1089 : vector<16xf32>
      %jit3A_1091 = arith.constant 7 : i32
      %broadcast_in_dim3A_1092 = vector.broadcast %jit3A_1091 : i32 to vector<16xi32>
      %select_n3A_1093 = arith.select %eq3A_1090, %broadcast_in_dim3A_1092, %broadcast_in_dim3A_19 : vector<16xi1>, vector<16xi32>
      %eq3A_1094 = arith.cmpf oeq, %select_n3A_1077, %max3A_1089 : vector<16xf32>
      %jit3A_1095 = arith.constant 6 : i32
      %broadcast_in_dim3A_1096 = vector.broadcast %jit3A_1095 : i32 to vector<16xi32>
      %select_n3A_1097 = arith.select %eq3A_1094, %broadcast_in_dim3A_1096, %select_n3A_1093 : vector<16xi1>, vector<16xi32>
      %eq3A_1098 = arith.cmpf oeq, %select_n3A_1072, %max3A_1089 : vector<16xf32>
      %jit3A_1099 = arith.constant 5 : i32
      %broadcast_in_dim3A_1100 = vector.broadcast %jit3A_1099 : i32 to vector<16xi32>
      %select_n3A_1101 = arith.select %eq3A_1098, %broadcast_in_dim3A_1100, %select_n3A_1097 : vector<16xi1>, vector<16xi32>
      %eq3A_1102 = arith.cmpf oeq, %select_n3A_1067, %max3A_1089 : vector<16xf32>
      %jit3A_1103 = arith.constant 4 : i32
      %broadcast_in_dim3A_1104 = vector.broadcast %jit3A_1103 : i32 to vector<16xi32>
      %select_n3A_1105 = arith.select %eq3A_1102, %broadcast_in_dim3A_1104, %select_n3A_1101 : vector<16xi1>, vector<16xi32>
      %eq3A_1106 = arith.cmpf oeq, %select_n3A_1062, %max3A_1089 : vector<16xf32>
      %jit3A_1107 = arith.constant 3 : i32
      %broadcast_in_dim3A_1108 = vector.broadcast %jit3A_1107 : i32 to vector<16xi32>
      %select_n3A_1109 = arith.select %eq3A_1106, %broadcast_in_dim3A_1108, %select_n3A_1105 : vector<16xi1>, vector<16xi32>
      %eq3A_1110 = arith.cmpf oeq, %select_n3A_1057, %max3A_1089 : vector<16xf32>
      %jit3A_1111 = arith.constant 2 : i32
      %broadcast_in_dim3A_1112 = vector.broadcast %jit3A_1111 : i32 to vector<16xi32>
      %select_n3A_1113 = arith.select %eq3A_1110, %broadcast_in_dim3A_1112, %select_n3A_1109 : vector<16xi1>, vector<16xi32>
      %eq3A_1114 = arith.cmpf oeq, %select_n3A_1052, %max3A_1089 : vector<16xf32>
      %jit3A_1115 = arith.constant 1 : i32
      %broadcast_in_dim3A_1116 = vector.broadcast %jit3A_1115 : i32 to vector<16xi32>
      %select_n3A_1117 = arith.select %eq3A_1114, %broadcast_in_dim3A_1116, %select_n3A_1113 : vector<16xi1>, vector<16xi32>
      %eq3A_1118 = arith.cmpf oeq, %select_n3A_1047, %max3A_1089 : vector<16xf32>
      %jit3A_1119 = arith.constant 0 : i32
      %broadcast_in_dim3A_1120 = vector.broadcast %jit3A_1119 : i32 to vector<16xi32>
      %select_n3A_1121 = arith.select %eq3A_1118, %broadcast_in_dim3A_1120, %select_n3A_1117 : vector<16xi1>, vector<16xi32>
      %abs3A_1122 = math.absf %max3A_1010 : vector<16xf32>
      %neg3A_1123 = arith.constant 0.000000e+00 : f32
      %neg3A_1124 = vector.broadcast %neg3A_1123 : f32 to vector<16xf32>
      %neg3A_1125 = arith.subf %neg3A_1124, %abs3A_1122 : vector<16xf32>
      %exp3A_1126 = math.exp %neg3A_1125 : vector<16xf32>
      %ge3A_1127 = arith.constant 0.000000e+00 : f32
      %ge3A_1128 = vector.broadcast %ge3A_1127 : f32 to vector<16xf32>
      %ge3A_1129 = arith.cmpf oge, %max3A_1010, %ge3A_1128 : vector<16xf32>
      %add3A_1130 = arith.constant 1.000000e+00 : f32
      %add3A_1131 = vector.broadcast %add3A_1130 : f32 to vector<16xf32>
      %add3A_1132 = arith.addf %add3A_1131, %exp3A_1126 : vector<16xf32>
      %div3A_1133 = arith.constant 1.000000e+00 : f32
      %div3A_1134 = vector.broadcast %div3A_1133 : f32 to vector<16xf32>
      %div3A_1135 = arith.divf %div3A_1134, %add3A_1132 : vector<16xf32>
      %add3A_1136 = arith.constant 1.000000e+00 : f32
      %add3A_1137 = vector.broadcast %add3A_1136 : f32 to vector<16xf32>
      %add3A_1138 = arith.addf %add3A_1137, %exp3A_1126 : vector<16xf32>
      %div3A_1139 = arith.divf %exp3A_1126, %add3A_1138 : vector<16xf32>
      %select_n3A_1140 = arith.select %ge3A_1129, %div3A_1135, %div3A_1139 : vector<16xi1>, vector<16xf32>
      %abs3A_1141 = math.absf %max3A_1089 : vector<16xf32>
      %neg3A_1142 = arith.constant 0.000000e+00 : f32
      %neg3A_1143 = vector.broadcast %neg3A_1142 : f32 to vector<16xf32>
      %neg3A_1144 = arith.subf %neg3A_1143, %abs3A_1141 : vector<16xf32>
      %exp3A_1145 = math.exp %neg3A_1144 : vector<16xf32>
      %ge3A_1146 = arith.constant 0.000000e+00 : f32
      %ge3A_1147 = vector.broadcast %ge3A_1146 : f32 to vector<16xf32>
      %ge3A_1148 = arith.cmpf oge, %max3A_1089, %ge3A_1147 : vector<16xf32>
      %add3A_1149 = arith.constant 1.000000e+00 : f32
      %add3A_1150 = vector.broadcast %add3A_1149 : f32 to vector<16xf32>
      %add3A_1151 = arith.addf %add3A_1150, %exp3A_1145 : vector<16xf32>
      %div3A_1152 = arith.constant 1.000000e+00 : f32
      %div3A_1153 = vector.broadcast %div3A_1152 : f32 to vector<16xf32>
      %div3A_1154 = arith.divf %div3A_1153, %add3A_1151 : vector<16xf32>
      %add3A_1155 = arith.constant 1.000000e+00 : f32
      %add3A_1156 = vector.broadcast %add3A_1155 : f32 to vector<16xf32>
      %add3A_1157 = arith.addf %add3A_1156, %exp3A_1145 : vector<16xf32>
      %div3A_1158 = arith.divf %exp3A_1145, %add3A_1157 : vector<16xf32>
      %select_n3A_1159 = arith.select %ge3A_1148, %div3A_1154, %div3A_1158 : vector<16xi1>, vector<16xf32>
      %add3A_1160 = arith.addf %select_n3A_1140, %select_n3A_1159 : vector<16xf32>
      %mul3A_1161 = arith.constant 128 : i32
      %mul3A_1162 = arith.muli %scan3A_96, %mul3A_1161 : i32
      %add3A_1163 = arith.constant 64 : i32
      %add3A_1164 = arith.addi %mul3A_1162, %add3A_1163 : i32
      %div3A_1165 = arith.divf %select_n3A_1140, %add3A_1160 : vector<16xf32>
      %swap3A_1166 = arith.index_cast %add3A_1164 : i32 to index
      %swap3A_1167 = tpu.vector_load %arg5[%swap3A_1166] {strides = array<i32>} : memref<4096xf32, #tpu.memory_space<vmem>>, vector<16xf32>,
      tpu.vector_store %arg5[%swap3A_1166], %div3A_1165 {strides = array<i32>} : memref<4096xf32, #tpu.memory_space<vmem>>, vector<16xf32>,
      %div3A_1168 = arith.divf %select_n3A_1159, %add3A_1160 : vector<16xf32>
      %add3A_1169 = arith.constant 1024 : i32
      %add3A_1170 = arith.addi %add3A_1169, %add3A_1164 : i32
      %swap3A_1171 = arith.index_cast %add3A_1170 : i32 to index
      %swap3A_1172 = tpu.vector_load %arg5[%swap3A_1171] {strides = array<i32>} : memref<4096xf32, #tpu.memory_space<vmem>>, vector<16xf32>,
      tpu.vector_store %arg5[%swap3A_1171], %div3A_1168 {strides = array<i32>} : memref<4096xf32, #tpu.memory_space<vmem>>, vector<16xf32>,
      %convert_element_type3A_1173 = arith.sitofp %select_n3A_1042 : vector<16xi32> to vector<16xf32>
      %add3A_1174 = arith.constant 2048 : i32
      %add3A_1175 = arith.addi %add3A_1174, %add3A_1164 : i32
      %swap3A_1176 = arith.index_cast %add3A_1175 : i32 to index
      %swap3A_1177 = tpu.vector_load %arg5[%swap3A_1176] {strides = array<i32>} : memref<4096xf32, #tpu.memory_space<vmem>>, vector<16xf32>,
      tpu.vector_store %arg5[%swap3A_1176], %convert_element_type3A_1173 {strides = array<i32>} : memref<4096xf32, #tpu.memory_space<vmem>>, vector<16xf32>,
      %convert_element_type3A_1178 = arith.sitofp %select_n3A_1121 : vector<16xi32> to vector<16xf32>
      %add3A_1179 = arith.constant 3072 : i32
      %add3A_1180 = arith.addi %add3A_1179, %add3A_1164 : i32
      %swap3A_1181 = arith.index_cast %add3A_1180 : i32 to index
      %swap3A_1182 = tpu.vector_load %arg5[%swap3A_1181] {strides = array<i32>} : memref<4096xf32, #tpu.memory_space<vmem>>, vector<16xf32>,
      tpu.vector_store %arg5[%swap3A_1181], %convert_element_type3A_1178 {strides = array<i32>} : memref<4096xf32, #tpu.memory_space<vmem>>, vector<16xf32>,
      %get3A_1183 = arith.constant 0 : i32
      %get3A_1184 = arith.index_cast %scan3A_96 : i32 to index
      %get3A_1185 = arith.index_cast %get3A_1183 : i32 to index
      %get3A_1186 = arith.constant 80 : index
      %get3A_1187 = tpu.vector_load %arg4[%get3A_1184, %get3A_1185, %get3A_1186] {strides = array<i32>} : memref<8x8x128xf32, #tpu.memory_space<vmem>>, vector<16xf32>,
      %get3A_1188 = arith.constant 1 : i32
      %get3A_1189 = arith.index_cast %scan3A_96 : i32 to index
      %get3A_1190 = arith.index_cast %get3A_1188 : i32 to index
      %get3A_1191 = arith.constant 80 : index
      %get3A_1192 = tpu.vector_load %arg4[%get3A_1189, %get3A_1190, %get3A_1191] {strides = array<i32>} : memref<8x8x128xf32, #tpu.memory_space<vmem>>, vector<16xf32>,
      %get3A_1193 = arith.constant 2 : i32
      %get3A_1194 = arith.index_cast %scan3A_96 : i32 to index
      %get3A_1195 = arith.index_cast %get3A_1193 : i32 to index
      %get3A_1196 = arith.constant 80 : index
      %get3A_1197 = tpu.vector_load %arg4[%get3A_1194, %get3A_1195, %get3A_1196] {strides = array<i32>} : memref<8x8x128xf32, #tpu.memory_space<vmem>>, vector<16xf32>,
      %get3A_1198 = arith.constant 3 : i32
      %get3A_1199 = arith.index_cast %scan3A_96 : i32 to index
      %get3A_1200 = arith.index_cast %get3A_1198 : i32 to index
      %get3A_1201 = arith.constant 80 : index
      %get3A_1202 = tpu.vector_load %arg4[%get3A_1199, %get3A_1200, %get3A_1201] {strides = array<i32>} : memref<8x8x128xf32, #tpu.memory_space<vmem>>, vector<16xf32>,
      %get3A_1203 = arith.constant 4 : i32
      %get3A_1204 = arith.index_cast %scan3A_96 : i32 to index
      %get3A_1205 = arith.index_cast %get3A_1203 : i32 to index
      %get3A_1206 = arith.constant 80 : index
      %get3A_1207 = tpu.vector_load %arg4[%get3A_1204, %get3A_1205, %get3A_1206] {strides = array<i32>} : memref<8x8x128xf32, #tpu.memory_space<vmem>>, vector<16xf32>,
      %get3A_1208 = arith.constant 5 : i32
      %get3A_1209 = arith.index_cast %scan3A_96 : i32 to index
      %get3A_1210 = arith.index_cast %get3A_1208 : i32 to index
      %get3A_1211 = arith.constant 80 : index
      %get3A_1212 = tpu.vector_load %arg4[%get3A_1209, %get3A_1210, %get3A_1211] {strides = array<i32>} : memref<8x8x128xf32, #tpu.memory_space<vmem>>, vector<16xf32>,
      %get3A_1213 = arith.constant 6 : i32
      %get3A_1214 = arith.index_cast %scan3A_96 : i32 to index
      %get3A_1215 = arith.index_cast %get3A_1213 : i32 to index
      %get3A_1216 = arith.constant 80 : index
      %get3A_1217 = tpu.vector_load %arg4[%get3A_1214, %get3A_1215, %get3A_1216] {strides = array<i32>} : memref<8x8x128xf32, #tpu.memory_space<vmem>>, vector<16xf32>,
      %get3A_1218 = arith.constant 7 : i32
      %get3A_1219 = arith.index_cast %scan3A_96 : i32 to index
      %get3A_1220 = arith.index_cast %get3A_1218 : i32 to index
      %get3A_1221 = arith.constant 80 : index
      %get3A_1222 = tpu.vector_load %arg4[%get3A_1219, %get3A_1220, %get3A_1221] {strides = array<i32>} : memref<8x8x128xf32, #tpu.memory_space<vmem>>, vector<16xf32>,
      %max3A_1223 = arith.maximumf %get3A_1187, %get3A_1192 : vector<16xf32>
      %max3A_1224 = arith.maximumf %max3A_1223, %get3A_1197 : vector<16xf32>
      %max3A_1225 = arith.maximumf %max3A_1224, %get3A_1202 : vector<16xf32>
      %max3A_1226 = arith.maximumf %max3A_1225, %get3A_1207 : vector<16xf32>
      %max3A_1227 = arith.maximumf %max3A_1226, %get3A_1212 : vector<16xf32>
      %max3A_1228 = arith.maximumf %max3A_1227, %get3A_1217 : vector<16xf32>
      %max3A_1229 = arith.maximumf %max3A_1228, %get3A_1222 : vector<16xf32>
      %eq3A_1230 = arith.cmpf oeq, %get3A_1222, %max3A_1229 : vector<16xf32>
      %jit3A_1231 = arith.constant 7 : i32
      %broadcast_in_dim3A_1232 = vector.broadcast %jit3A_1231 : i32 to vector<16xi32>
      %select_n3A_1233 = arith.select %eq3A_1230, %broadcast_in_dim3A_1232, %broadcast_in_dim3A_19 : vector<16xi1>, vector<16xi32>
      %eq3A_1234 = arith.cmpf oeq, %get3A_1217, %max3A_1229 : vector<16xf32>
      %jit3A_1235 = arith.constant 6 : i32
      %broadcast_in_dim3A_1236 = vector.broadcast %jit3A_1235 : i32 to vector<16xi32>
      %select_n3A_1237 = arith.select %eq3A_1234, %broadcast_in_dim3A_1236, %select_n3A_1233 : vector<16xi1>, vector<16xi32>
      %eq3A_1238 = arith.cmpf oeq, %get3A_1212, %max3A_1229 : vector<16xf32>
      %jit3A_1239 = arith.constant 5 : i32
      %broadcast_in_dim3A_1240 = vector.broadcast %jit3A_1239 : i32 to vector<16xi32>
      %select_n3A_1241 = arith.select %eq3A_1238, %broadcast_in_dim3A_1240, %select_n3A_1237 : vector<16xi1>, vector<16xi32>
      %eq3A_1242 = arith.cmpf oeq, %get3A_1207, %max3A_1229 : vector<16xf32>
      %jit3A_1243 = arith.constant 4 : i32
      %broadcast_in_dim3A_1244 = vector.broadcast %jit3A_1243 : i32 to vector<16xi32>
      %select_n3A_1245 = arith.select %eq3A_1242, %broadcast_in_dim3A_1244, %select_n3A_1241 : vector<16xi1>, vector<16xi32>
      %eq3A_1246 = arith.cmpf oeq, %get3A_1202, %max3A_1229 : vector<16xf32>
      %jit3A_1247 = arith.constant 3 : i32
      %broadcast_in_dim3A_1248 = vector.broadcast %jit3A_1247 : i32 to vector<16xi32>
      %select_n3A_1249 = arith.select %eq3A_1246, %broadcast_in_dim3A_1248, %select_n3A_1245 : vector<16xi1>, vector<16xi32>
      %eq3A_1250 = arith.cmpf oeq, %get3A_1197, %max3A_1229 : vector<16xf32>
      %jit3A_1251 = arith.constant 2 : i32
      %broadcast_in_dim3A_1252 = vector.broadcast %jit3A_1251 : i32 to vector<16xi32>
      %select_n3A_1253 = arith.select %eq3A_1250, %broadcast_in_dim3A_1252, %select_n3A_1249 : vector<16xi1>, vector<16xi32>
      %eq3A_1254 = arith.cmpf oeq, %get3A_1192, %max3A_1229 : vector<16xf32>
      %jit3A_1255 = arith.constant 1 : i32
      %broadcast_in_dim3A_1256 = vector.broadcast %jit3A_1255 : i32 to vector<16xi32>
      %select_n3A_1257 = arith.select %eq3A_1254, %broadcast_in_dim3A_1256, %select_n3A_1253 : vector<16xi1>, vector<16xi32>
      %eq3A_1258 = arith.cmpf oeq, %get3A_1187, %max3A_1229 : vector<16xf32>
      %jit3A_1259 = arith.constant 0 : i32
      %broadcast_in_dim3A_1260 = vector.broadcast %jit3A_1259 : i32 to vector<16xi32>
      %select_n3A_1261 = arith.select %eq3A_1258, %broadcast_in_dim3A_1260, %select_n3A_1257 : vector<16xi1>, vector<16xi32>
      %eq3A_1262 = arith.constant 0 : i32
      %eq3A_1263 = vector.broadcast %eq3A_1262 : i32 to vector<16xi32>
      %eq3A_1264 = arith.cmpi eq, %select_n3A_1261, %eq3A_1263 : vector<16xi32>
      %broadcast_in_dim3A_1265 = vector.broadcast %scan3A_20 : f32 to vector<16xf32>
      %select_n3A_1266 = arith.select %eq3A_1264, %broadcast_in_dim3A_1265, %get3A_1187 : vector<16xi1>, vector<16xf32>
      %eq3A_1267 = arith.constant 1 : i32
      %eq3A_1268 = vector.broadcast %eq3A_1267 : i32 to vector<16xi32>
      %eq3A_1269 = arith.cmpi eq, %select_n3A_1261, %eq3A_1268 : vector<16xi32>
      %broadcast_in_dim3A_1270 = vector.broadcast %scan3A_20 : f32 to vector<16xf32>
      %select_n3A_1271 = arith.select %eq3A_1269, %broadcast_in_dim3A_1270, %get3A_1192 : vector<16xi1>, vector<16xf32>
      %eq3A_1272 = arith.constant 2 : i32
      %eq3A_1273 = vector.broadcast %eq3A_1272 : i32 to vector<16xi32>
      %eq3A_1274 = arith.cmpi eq, %select_n3A_1261, %eq3A_1273 : vector<16xi32>
      %broadcast_in_dim3A_1275 = vector.broadcast %scan3A_20 : f32 to vector<16xf32>
      %select_n3A_1276 = arith.select %eq3A_1274, %broadcast_in_dim3A_1275, %get3A_1197 : vector<16xi1>, vector<16xf32>
      %eq3A_1277 = arith.constant 3 : i32
      %eq3A_1278 = vector.broadcast %eq3A_1277 : i32 to vector<16xi32>
      %eq3A_1279 = arith.cmpi eq, %select_n3A_1261, %eq3A_1278 : vector<16xi32>
      %broadcast_in_dim3A_1280 = vector.broadcast %scan3A_20 : f32 to vector<16xf32>
      %select_n3A_1281 = arith.select %eq3A_1279, %broadcast_in_dim3A_1280, %get3A_1202 : vector<16xi1>, vector<16xf32>
      %eq3A_1282 = arith.constant 4 : i32
      %eq3A_1283 = vector.broadcast %eq3A_1282 : i32 to vector<16xi32>
      %eq3A_1284 = arith.cmpi eq, %select_n3A_1261, %eq3A_1283 : vector<16xi32>
      %broadcast_in_dim3A_1285 = vector.broadcast %scan3A_20 : f32 to vector<16xf32>
      %select_n3A_1286 = arith.select %eq3A_1284, %broadcast_in_dim3A_1285, %get3A_1207 : vector<16xi1>, vector<16xf32>
      %eq3A_1287 = arith.constant 5 : i32
      %eq3A_1288 = vector.broadcast %eq3A_1287 : i32 to vector<16xi32>
      %eq3A_1289 = arith.cmpi eq, %select_n3A_1261, %eq3A_1288 : vector<16xi32>
      %broadcast_in_dim3A_1290 = vector.broadcast %scan3A_20 : f32 to vector<16xf32>
      %select_n3A_1291 = arith.select %eq3A_1289, %broadcast_in_dim3A_1290, %get3A_1212 : vector<16xi1>, vector<16xf32>
      %eq3A_1292 = arith.constant 6 : i32
      %eq3A_1293 = vector.broadcast %eq3A_1292 : i32 to vector<16xi32>
      %eq3A_1294 = arith.cmpi eq, %select_n3A_1261, %eq3A_1293 : vector<16xi32>
      %broadcast_in_dim3A_1295 = vector.broadcast %scan3A_20 : f32 to vector<16xf32>
      %select_n3A_1296 = arith.select %eq3A_1294, %broadcast_in_dim3A_1295, %get3A_1217 : vector<16xi1>, vector<16xf32>
      %eq3A_1297 = arith.constant 7 : i32
      %eq3A_1298 = vector.broadcast %eq3A_1297 : i32 to vector<16xi32>
      %eq3A_1299 = arith.cmpi eq, %select_n3A_1261, %eq3A_1298 : vector<16xi32>
      %broadcast_in_dim3A_1300 = vector.broadcast %scan3A_20 : f32 to vector<16xf32>
      %select_n3A_1301 = arith.select %eq3A_1299, %broadcast_in_dim3A_1300, %get3A_1222 : vector<16xi1>, vector<16xf32>
      %max3A_1302 = arith.maximumf %select_n3A_1266, %select_n3A_1271 : vector<16xf32>
      %max3A_1303 = arith.maximumf %max3A_1302, %select_n3A_1276 : vector<16xf32>
      %max3A_1304 = arith.maximumf %max3A_1303, %select_n3A_1281 : vector<16xf32>
      %max3A_1305 = arith.maximumf %max3A_1304, %select_n3A_1286 : vector<16xf32>
      %max3A_1306 = arith.maximumf %max3A_1305, %select_n3A_1291 : vector<16xf32>
      %max3A_1307 = arith.maximumf %max3A_1306, %select_n3A_1296 : vector<16xf32>
      %max3A_1308 = arith.maximumf %max3A_1307, %select_n3A_1301 : vector<16xf32>
      %eq3A_1309 = arith.cmpf oeq, %select_n3A_1301, %max3A_1308 : vector<16xf32>
      %jit3A_1310 = arith.constant 7 : i32
      %broadcast_in_dim3A_1311 = vector.broadcast %jit3A_1310 : i32 to vector<16xi32>
      %select_n3A_1312 = arith.select %eq3A_1309, %broadcast_in_dim3A_1311, %broadcast_in_dim3A_19 : vector<16xi1>, vector<16xi32>
      %eq3A_1313 = arith.cmpf oeq, %select_n3A_1296, %max3A_1308 : vector<16xf32>
      %jit3A_1314 = arith.constant 6 : i32
      %broadcast_in_dim3A_1315 = vector.broadcast %jit3A_1314 : i32 to vector<16xi32>
      %select_n3A_1316 = arith.select %eq3A_1313, %broadcast_in_dim3A_1315, %select_n3A_1312 : vector<16xi1>, vector<16xi32>
      %eq3A_1317 = arith.cmpf oeq, %select_n3A_1291, %max3A_1308 : vector<16xf32>
      %jit3A_1318 = arith.constant 5 : i32
      %broadcast_in_dim3A_1319 = vector.broadcast %jit3A_1318 : i32 to vector<16xi32>
      %select_n3A_1320 = arith.select %eq3A_1317, %broadcast_in_dim3A_1319, %select_n3A_1316 : vector<16xi1>, vector<16xi32>
      %eq3A_1321 = arith.cmpf oeq, %select_n3A_1286, %max3A_1308 : vector<16xf32>
      %jit3A_1322 = arith.constant 4 : i32
      %broadcast_in_dim3A_1323 = vector.broadcast %jit3A_1322 : i32 to vector<16xi32>
      %select_n3A_1324 = arith.select %eq3A_1321, %broadcast_in_dim3A_1323, %select_n3A_1320 : vector<16xi1>, vector<16xi32>
      %eq3A_1325 = arith.cmpf oeq, %select_n3A_1281, %max3A_1308 : vector<16xf32>
      %jit3A_1326 = arith.constant 3 : i32
      %broadcast_in_dim3A_1327 = vector.broadcast %jit3A_1326 : i32 to vector<16xi32>
      %select_n3A_1328 = arith.select %eq3A_1325, %broadcast_in_dim3A_1327, %select_n3A_1324 : vector<16xi1>, vector<16xi32>
      %eq3A_1329 = arith.cmpf oeq, %select_n3A_1276, %max3A_1308 : vector<16xf32>
      %jit3A_1330 = arith.constant 2 : i32
      %broadcast_in_dim3A_1331 = vector.broadcast %jit3A_1330 : i32 to vector<16xi32>
      %select_n3A_1332 = arith.select %eq3A_1329, %broadcast_in_dim3A_1331, %select_n3A_1328 : vector<16xi1>, vector<16xi32>
      %eq3A_1333 = arith.cmpf oeq, %select_n3A_1271, %max3A_1308 : vector<16xf32>
      %jit3A_1334 = arith.constant 1 : i32
      %broadcast_in_dim3A_1335 = vector.broadcast %jit3A_1334 : i32 to vector<16xi32>
      %select_n3A_1336 = arith.select %eq3A_1333, %broadcast_in_dim3A_1335, %select_n3A_1332 : vector<16xi1>, vector<16xi32>
      %eq3A_1337 = arith.cmpf oeq, %select_n3A_1266, %max3A_1308 : vector<16xf32>
      %jit3A_1338 = arith.constant 0 : i32
      %broadcast_in_dim3A_1339 = vector.broadcast %jit3A_1338 : i32 to vector<16xi32>
      %select_n3A_1340 = arith.select %eq3A_1337, %broadcast_in_dim3A_1339, %select_n3A_1336 : vector<16xi1>, vector<16xi32>
      %abs3A_1341 = math.absf %max3A_1229 : vector<16xf32>
      %neg3A_1342 = arith.constant 0.000000e+00 : f32
      %neg3A_1343 = vector.broadcast %neg3A_1342 : f32 to vector<16xf32>
      %neg3A_1344 = arith.subf %neg3A_1343, %abs3A_1341 : vector<16xf32>
      %exp3A_1345 = math.exp %neg3A_1344 : vector<16xf32>
      %ge3A_1346 = arith.constant 0.000000e+00 : f32
      %ge3A_1347 = vector.broadcast %ge3A_1346 : f32 to vector<16xf32>
      %ge3A_1348 = arith.cmpf oge, %max3A_1229, %ge3A_1347 : vector<16xf32>
      %add3A_1349 = arith.constant 1.000000e+00 : f32
      %add3A_1350 = vector.broadcast %add3A_1349 : f32 to vector<16xf32>
      %add3A_1351 = arith.addf %add3A_1350, %exp3A_1345 : vector<16xf32>
      %div3A_1352 = arith.constant 1.000000e+00 : f32
      %div3A_1353 = vector.broadcast %div3A_1352 : f32 to vector<16xf32>
      %div3A_1354 = arith.divf %div3A_1353, %add3A_1351 : vector<16xf32>
      %add3A_1355 = arith.constant 1.000000e+00 : f32
      %add3A_1356 = vector.broadcast %add3A_1355 : f32 to vector<16xf32>
      %add3A_1357 = arith.addf %add3A_1356, %exp3A_1345 : vector<16xf32>
      %div3A_1358 = arith.divf %exp3A_1345, %add3A_1357 : vector<16xf32>
      %select_n3A_1359 = arith.select %ge3A_1348, %div3A_1354, %div3A_1358 : vector<16xi1>, vector<16xf32>
      %abs3A_1360 = math.absf %max3A_1308 : vector<16xf32>
      %neg3A_1361 = arith.constant 0.000000e+00 : f32
      %neg3A_1362 = vector.broadcast %neg3A_1361 : f32 to vector<16xf32>
      %neg3A_1363 = arith.subf %neg3A_1362, %abs3A_1360 : vector<16xf32>
      %exp3A_1364 = math.exp %neg3A_1363 : vector<16xf32>
      %ge3A_1365 = arith.constant 0.000000e+00 : f32
      %ge3A_1366 = vector.broadcast %ge3A_1365 : f32 to vector<16xf32>
      %ge3A_1367 = arith.cmpf oge, %max3A_1308, %ge3A_1366 : vector<16xf32>
      %add3A_1368 = arith.constant 1.000000e+00 : f32
      %add3A_1369 = vector.broadcast %add3A_1368 : f32 to vector<16xf32>
      %add3A_1370 = arith.addf %add3A_1369, %exp3A_1364 : vector<16xf32>
      %div3A_1371 = arith.constant 1.000000e+00 : f32
      %div3A_1372 = vector.broadcast %div3A_1371 : f32 to vector<16xf32>
      %div3A_1373 = arith.divf %div3A_1372, %add3A_1370 : vector<16xf32>
      %add3A_1374 = arith.constant 1.000000e+00 : f32
      %add3A_1375 = vector.broadcast %add3A_1374 : f32 to vector<16xf32>
      %add3A_1376 = arith.addf %add3A_1375, %exp3A_1364 : vector<16xf32>
      %div3A_1377 = arith.divf %exp3A_1364, %add3A_1376 : vector<16xf32>
      %select_n3A_1378 = arith.select %ge3A_1367, %div3A_1373, %div3A_1377 : vector<16xi1>, vector<16xf32>
      %add3A_1379 = arith.addf %select_n3A_1359, %select_n3A_1378 : vector<16xf32>
      %mul3A_1380 = arith.constant 128 : i32
      %mul3A_1381 = arith.muli %scan3A_96, %mul3A_1380 : i32
      %add3A_1382 = arith.constant 80 : i32
      %add3A_1383 = arith.addi %mul3A_1381, %add3A_1382 : i32
      %div3A_1384 = arith.divf %select_n3A_1359, %add3A_1379 : vector<16xf32>
      %swap3A_1385 = arith.index_cast %add3A_1383 : i32 to index
      %swap3A_1386 = tpu.vector_load %arg5[%swap3A_1385] {strides = array<i32>} : memref<4096xf32, #tpu.memory_space<vmem>>, vector<16xf32>,
      tpu.vector_store %arg5[%swap3A_1385], %div3A_1384 {strides = array<i32>} : memref<4096xf32, #tpu.memory_space<vmem>>, vector<16xf32>,
      %div3A_1387 = arith.divf %select_n3A_1378, %add3A_1379 : vector<16xf32>
      %add3A_1388 = arith.constant 1024 : i32
      %add3A_1389 = arith.addi %add3A_1388, %add3A_1383 : i32
      %swap3A_1390 = arith.index_cast %add3A_1389 : i32 to index
      %swap3A_1391 = tpu.vector_load %arg5[%swap3A_1390] {strides = array<i32>} : memref<4096xf32, #tpu.memory_space<vmem>>, vector<16xf32>,
      tpu.vector_store %arg5[%swap3A_1390], %div3A_1387 {strides = array<i32>} : memref<4096xf32, #tpu.memory_space<vmem>>, vector<16xf32>,
      %convert_element_type3A_1392 = arith.sitofp %select_n3A_1261 : vector<16xi32> to vector<16xf32>
      %add3A_1393 = arith.constant 2048 : i32
      %add3A_1394 = arith.addi %add3A_1393, %add3A_1383 : i32
      %swap3A_1395 = arith.index_cast %add3A_1394 : i32 to index
      %swap3A_1396 = tpu.vector_load %arg5[%swap3A_1395] {strides = array<i32>} : memref<4096xf32, #tpu.memory_space<vmem>>, vector<16xf32>,
      tpu.vector_store %arg5[%swap3A_1395], %convert_element_type3A_1392 {strides = array<i32>} : memref<4096xf32, #tpu.memory_space<vmem>>, vector<16xf32>,
      %convert_element_type3A_1397 = arith.sitofp %select_n3A_1340 : vector<16xi32> to vector<16xf32>
      %add3A_1398 = arith.constant 3072 : i32
      %add3A_1399 = arith.addi %add3A_1398, %add3A_1383 : i32
      %swap3A_1400 = arith.index_cast %add3A_1399 : i32 to index
      %swap3A_1401 = tpu.vector_load %arg5[%swap3A_1400] {strides = array<i32>} : memref<4096xf32, #tpu.memory_space<vmem>>, vector<16xf32>,
      tpu.vector_store %arg5[%swap3A_1400], %convert_element_type3A_1397 {strides = array<i32>} : memref<4096xf32, #tpu.memory_space<vmem>>, vector<16xf32>,
      %get3A_1402 = arith.constant 0 : i32
      %get3A_1403 = arith.index_cast %scan3A_96 : i32 to index
      %get3A_1404 = arith.index_cast %get3A_1402 : i32 to index
      %get3A_1405 = arith.constant 96 : index
      %get3A_1406 = tpu.vector_load %arg4[%get3A_1403, %get3A_1404, %get3A_1405] {strides = array<i32>} : memref<8x8x128xf32, #tpu.memory_space<vmem>>, vector<16xf32>,
      %get3A_1407 = arith.constant 1 : i32
      %get3A_1408 = arith.index_cast %scan3A_96 : i32 to index
      %get3A_1409 = arith.index_cast %get3A_1407 : i32 to index
      %get3A_1410 = arith.constant 96 : index
      %get3A_1411 = tpu.vector_load %arg4[%get3A_1408, %get3A_1409, %get3A_1410] {strides = array<i32>} : memref<8x8x128xf32, #tpu.memory_space<vmem>>, vector<16xf32>,
      %get3A_1412 = arith.constant 2 : i32
      %get3A_1413 = arith.index_cast %scan3A_96 : i32 to index
      %get3A_1414 = arith.index_cast %get3A_1412 : i32 to index
      %get3A_1415 = arith.constant 96 : index
      %get3A_1416 = tpu.vector_load %arg4[%get3A_1413, %get3A_1414, %get3A_1415] {strides = array<i32>} : memref<8x8x128xf32, #tpu.memory_space<vmem>>, vector<16xf32>,
      %get3A_1417 = arith.constant 3 : i32
      %get3A_1418 = arith.index_cast %scan3A_96 : i32 to index
      %get3A_1419 = arith.index_cast %get3A_1417 : i32 to index
      %get3A_1420 = arith.constant 96 : index
      %get3A_1421 = tpu.vector_load %arg4[%get3A_1418, %get3A_1419, %get3A_1420] {strides = array<i32>} : memref<8x8x128xf32, #tpu.memory_space<vmem>>, vector<16xf32>,
      %get3A_1422 = arith.constant 4 : i32
      %get3A_1423 = arith.index_cast %scan3A_96 : i32 to index
      %get3A_1424 = arith.index_cast %get3A_1422 : i32 to index
      %get3A_1425 = arith.constant 96 : index
      %get3A_1426 = tpu.vector_load %arg4[%get3A_1423, %get3A_1424, %get3A_1425] {strides = array<i32>} : memref<8x8x128xf32, #tpu.memory_space<vmem>>, vector<16xf32>,
      %get3A_1427 = arith.constant 5 : i32
      %get3A_1428 = arith.index_cast %scan3A_96 : i32 to index
      %get3A_1429 = arith.index_cast %get3A_1427 : i32 to index
      %get3A_1430 = arith.constant 96 : index
      %get3A_1431 = tpu.vector_load %arg4[%get3A_1428, %get3A_1429, %get3A_1430] {strides = array<i32>} : memref<8x8x128xf32, #tpu.memory_space<vmem>>, vector<16xf32>,
      %get3A_1432 = arith.constant 6 : i32
      %get3A_1433 = arith.index_cast %scan3A_96 : i32 to index
      %get3A_1434 = arith.index_cast %get3A_1432 : i32 to index
      %get3A_1435 = arith.constant 96 : index
      %get3A_1436 = tpu.vector_load %arg4[%get3A_1433, %get3A_1434, %get3A_1435] {strides = array<i32>} : memref<8x8x128xf32, #tpu.memory_space<vmem>>, vector<16xf32>,
      %get3A_1437 = arith.constant 7 : i32
      %get3A_1438 = arith.index_cast %scan3A_96 : i32 to index
      %get3A_1439 = arith.index_cast %get3A_1437 : i32 to index
      %get3A_1440 = arith.constant 96 : index
      %get3A_1441 = tpu.vector_load %arg4[%get3A_1438, %get3A_1439, %get3A_1440] {strides = array<i32>} : memref<8x8x128xf32, #tpu.memory_space<vmem>>, vector<16xf32>,
      %max3A_1442 = arith.maximumf %get3A_1406, %get3A_1411 : vector<16xf32>
      %max3A_1443 = arith.maximumf %max3A_1442, %get3A_1416 : vector<16xf32>
      %max3A_1444 = arith.maximumf %max3A_1443, %get3A_1421 : vector<16xf32>
      %max3A_1445 = arith.maximumf %max3A_1444, %get3A_1426 : vector<16xf32>
      %max3A_1446 = arith.maximumf %max3A_1445, %get3A_1431 : vector<16xf32>
      %max3A_1447 = arith.maximumf %max3A_1446, %get3A_1436 : vector<16xf32>
      %max3A_1448 = arith.maximumf %max3A_1447, %get3A_1441 : vector<16xf32>
      %eq3A_1449 = arith.cmpf oeq, %get3A_1441, %max3A_1448 : vector<16xf32>
      %jit3A_1450 = arith.constant 7 : i32
      %broadcast_in_dim3A_1451 = vector.broadcast %jit3A_1450 : i32 to vector<16xi32>
      %select_n3A_1452 = arith.select %eq3A_1449, %broadcast_in_dim3A_1451, %broadcast_in_dim3A_19 : vector<16xi1>, vector<16xi32>
      %eq3A_1453 = arith.cmpf oeq, %get3A_1436, %max3A_1448 : vector<16xf32>
      %jit3A_1454 = arith.constant 6 : i32
      %broadcast_in_dim3A_1455 = vector.broadcast %jit3A_1454 : i32 to vector<16xi32>
      %select_n3A_1456 = arith.select %eq3A_1453, %broadcast_in_dim3A_1455, %select_n3A_1452 : vector<16xi1>, vector<16xi32>
      %eq3A_1457 = arith.cmpf oeq, %get3A_1431, %max3A_1448 : vector<16xf32>
      %jit3A_1458 = arith.constant 5 : i32
      %broadcast_in_dim3A_1459 = vector.broadcast %jit3A_1458 : i32 to vector<16xi32>
      %select_n3A_1460 = arith.select %eq3A_1457, %broadcast_in_dim3A_1459, %select_n3A_1456 : vector<16xi1>, vector<16xi32>
      %eq3A_1461 = arith.cmpf oeq, %get3A_1426, %max3A_1448 : vector<16xf32>
      %jit3A_1462 = arith.constant 4 : i32
      %broadcast_in_dim3A_1463 = vector.broadcast %jit3A_1462 : i32 to vector<16xi32>
      %select_n3A_1464 = arith.select %eq3A_1461, %broadcast_in_dim3A_1463, %select_n3A_1460 : vector<16xi1>, vector<16xi32>
      %eq3A_1465 = arith.cmpf oeq, %get3A_1421, %max3A_1448 : vector<16xf32>
      %jit3A_1466 = arith.constant 3 : i32
      %broadcast_in_dim3A_1467 = vector.broadcast %jit3A_1466 : i32 to vector<16xi32>
      %select_n3A_1468 = arith.select %eq3A_1465, %broadcast_in_dim3A_1467, %select_n3A_1464 : vector<16xi1>, vector<16xi32>
      %eq3A_1469 = arith.cmpf oeq, %get3A_1416, %max3A_1448 : vector<16xf32>
      %jit3A_1470 = arith.constant 2 : i32
      %broadcast_in_dim3A_1471 = vector.broadcast %jit3A_1470 : i32 to vector<16xi32>
      %select_n3A_1472 = arith.select %eq3A_1469, %broadcast_in_dim3A_1471, %select_n3A_1468 : vector<16xi1>, vector<16xi32>
      %eq3A_1473 = arith.cmpf oeq, %get3A_1411, %max3A_1448 : vector<16xf32>
      %jit3A_1474 = arith.constant 1 : i32
      %broadcast_in_dim3A_1475 = vector.broadcast %jit3A_1474 : i32 to vector<16xi32>
      %select_n3A_1476 = arith.select %eq3A_1473, %broadcast_in_dim3A_1475, %select_n3A_1472 : vector<16xi1>, vector<16xi32>
      %eq3A_1477 = arith.cmpf oeq, %get3A_1406, %max3A_1448 : vector<16xf32>
      %jit3A_1478 = arith.constant 0 : i32
      %broadcast_in_dim3A_1479 = vector.broadcast %jit3A_1478 : i32 to vector<16xi32>
      %select_n3A_1480 = arith.select %eq3A_1477, %broadcast_in_dim3A_1479, %select_n3A_1476 : vector<16xi1>, vector<16xi32>
      %eq3A_1481 = arith.constant 0 : i32
      %eq3A_1482 = vector.broadcast %eq3A_1481 : i32 to vector<16xi32>
      %eq3A_1483 = arith.cmpi eq, %select_n3A_1480, %eq3A_1482 : vector<16xi32>
      %broadcast_in_dim3A_1484 = vector.broadcast %scan3A_20 : f32 to vector<16xf32>
      %select_n3A_1485 = arith.select %eq3A_1483, %broadcast_in_dim3A_1484, %get3A_1406 : vector<16xi1>, vector<16xf32>
      %eq3A_1486 = arith.constant 1 : i32
      %eq3A_1487 = vector.broadcast %eq3A_1486 : i32 to vector<16xi32>
      %eq3A_1488 = arith.cmpi eq, %select_n3A_1480, %eq3A_1487 : vector<16xi32>
      %broadcast_in_dim3A_1489 = vector.broadcast %scan3A_20 : f32 to vector<16xf32>
      %select_n3A_1490 = arith.select %eq3A_1488, %broadcast_in_dim3A_1489, %get3A_1411 : vector<16xi1>, vector<16xf32>
      %eq3A_1491 = arith.constant 2 : i32
      %eq3A_1492 = vector.broadcast %eq3A_1491 : i32 to vector<16xi32>
      %eq3A_1493 = arith.cmpi eq, %select_n3A_1480, %eq3A_1492 : vector<16xi32>
      %broadcast_in_dim3A_1494 = vector.broadcast %scan3A_20 : f32 to vector<16xf32>
      %select_n3A_1495 = arith.select %eq3A_1493, %broadcast_in_dim3A_1494, %get3A_1416 : vector<16xi1>, vector<16xf32>
      %eq3A_1496 = arith.constant 3 : i32
      %eq3A_1497 = vector.broadcast %eq3A_1496 : i32 to vector<16xi32>
      %eq3A_1498 = arith.cmpi eq, %select_n3A_1480, %eq3A_1497 : vector<16xi32>
      %broadcast_in_dim3A_1499 = vector.broadcast %scan3A_20 : f32 to vector<16xf32>
      %select_n3A_1500 = arith.select %eq3A_1498, %broadcast_in_dim3A_1499, %get3A_1421 : vector<16xi1>, vector<16xf32>
      %eq3A_1501 = arith.constant 4 : i32
      %eq3A_1502 = vector.broadcast %eq3A_1501 : i32 to vector<16xi32>
      %eq3A_1503 = arith.cmpi eq, %select_n3A_1480, %eq3A_1502 : vector<16xi32>
      %broadcast_in_dim3A_1504 = vector.broadcast %scan3A_20 : f32 to vector<16xf32>
      %select_n3A_1505 = arith.select %eq3A_1503, %broadcast_in_dim3A_1504, %get3A_1426 : vector<16xi1>, vector<16xf32>
      %eq3A_1506 = arith.constant 5 : i32
      %eq3A_1507 = vector.broadcast %eq3A_1506 : i32 to vector<16xi32>
      %eq3A_1508 = arith.cmpi eq, %select_n3A_1480, %eq3A_1507 : vector<16xi32>
      %broadcast_in_dim3A_1509 = vector.broadcast %scan3A_20 : f32 to vector<16xf32>
      %select_n3A_1510 = arith.select %eq3A_1508, %broadcast_in_dim3A_1509, %get3A_1431 : vector<16xi1>, vector<16xf32>
      %eq3A_1511 = arith.constant 6 : i32
      %eq3A_1512 = vector.broadcast %eq3A_1511 : i32 to vector<16xi32>
      %eq3A_1513 = arith.cmpi eq, %select_n3A_1480, %eq3A_1512 : vector<16xi32>
      %broadcast_in_dim3A_1514 = vector.broadcast %scan3A_20 : f32 to vector<16xf32>
      %select_n3A_1515 = arith.select %eq3A_1513, %broadcast_in_dim3A_1514, %get3A_1436 : vector<16xi1>, vector<16xf32>
      %eq3A_1516 = arith.constant 7 : i32
      %eq3A_1517 = vector.broadcast %eq3A_1516 : i32 to vector<16xi32>
      %eq3A_1518 = arith.cmpi eq, %select_n3A_1480, %eq3A_1517 : vector<16xi32>
      %broadcast_in_dim3A_1519 = vector.broadcast %scan3A_20 : f32 to vector<16xf32>
      %select_n3A_1520 = arith.select %eq3A_1518, %broadcast_in_dim3A_1519, %get3A_1441 : vector<16xi1>, vector<16xf32>
      %max3A_1521 = arith.maximumf %select_n3A_1485, %select_n3A_1490 : vector<16xf32>
      %max3A_1522 = arith.maximumf %max3A_1521, %select_n3A_1495 : vector<16xf32>
      %max3A_1523 = arith.maximumf %max3A_1522, %select_n3A_1500 : vector<16xf32>
      %max3A_1524 = arith.maximumf %max3A_1523, %select_n3A_1505 : vector<16xf32>
      %max3A_1525 = arith.maximumf %max3A_1524, %select_n3A_1510 : vector<16xf32>
      %max3A_1526 = arith.maximumf %max3A_1525, %select_n3A_1515 : vector<16xf32>
      %max3A_1527 = arith.maximumf %max3A_1526, %select_n3A_1520 : vector<16xf32>
      %eq3A_1528 = arith.cmpf oeq, %select_n3A_1520, %max3A_1527 : vector<16xf32>
      %jit3A_1529 = arith.constant 7 : i32
      %broadcast_in_dim3A_1530 = vector.broadcast %jit3A_1529 : i32 to vector<16xi32>
      %select_n3A_1531 = arith.select %eq3A_1528, %broadcast_in_dim3A_1530, %broadcast_in_dim3A_19 : vector<16xi1>, vector<16xi32>
      %eq3A_1532 = arith.cmpf oeq, %select_n3A_1515, %max3A_1527 : vector<16xf32>
      %jit3A_1533 = arith.constant 6 : i32
      %broadcast_in_dim3A_1534 = vector.broadcast %jit3A_1533 : i32 to vector<16xi32>
      %select_n3A_1535 = arith.select %eq3A_1532, %broadcast_in_dim3A_1534, %select_n3A_1531 : vector<16xi1>, vector<16xi32>
      %eq3A_1536 = arith.cmpf oeq, %select_n3A_1510, %max3A_1527 : vector<16xf32>
      %jit3A_1537 = arith.constant 5 : i32
      %broadcast_in_dim3A_1538 = vector.broadcast %jit3A_1537 : i32 to vector<16xi32>
      %select_n3A_1539 = arith.select %eq3A_1536, %broadcast_in_dim3A_1538, %select_n3A_1535 : vector<16xi1>, vector<16xi32>
      %eq3A_1540 = arith.cmpf oeq, %select_n3A_1505, %max3A_1527 : vector<16xf32>
      %jit3A_1541 = arith.constant 4 : i32
      %broadcast_in_dim3A_1542 = vector.broadcast %jit3A_1541 : i32 to vector<16xi32>
      %select_n3A_1543 = arith.select %eq3A_1540, %broadcast_in_dim3A_1542, %select_n3A_1539 : vector<16xi1>, vector<16xi32>
      %eq3A_1544 = arith.cmpf oeq, %select_n3A_1500, %max3A_1527 : vector<16xf32>
      %jit3A_1545 = arith.constant 3 : i32
      %broadcast_in_dim3A_1546 = vector.broadcast %jit3A_1545 : i32 to vector<16xi32>
      %select_n3A_1547 = arith.select %eq3A_1544, %broadcast_in_dim3A_1546, %select_n3A_1543 : vector<16xi1>, vector<16xi32>
      %eq3A_1548 = arith.cmpf oeq, %select_n3A_1495, %max3A_1527 : vector<16xf32>
      %jit3A_1549 = arith.constant 2 : i32
      %broadcast_in_dim3A_1550 = vector.broadcast %jit3A_1549 : i32 to vector<16xi32>
      %select_n3A_1551 = arith.select %eq3A_1548, %broadcast_in_dim3A_1550, %select_n3A_1547 : vector<16xi1>, vector<16xi32>
      %eq3A_1552 = arith.cmpf oeq, %select_n3A_1490, %max3A_1527 : vector<16xf32>
      %jit3A_1553 = arith.constant 1 : i32
      %broadcast_in_dim3A_1554 = vector.broadcast %jit3A_1553 : i32 to vector<16xi32>
      %select_n3A_1555 = arith.select %eq3A_1552, %broadcast_in_dim3A_1554, %select_n3A_1551 : vector<16xi1>, vector<16xi32>
      %eq3A_1556 = arith.cmpf oeq, %select_n3A_1485, %max3A_1527 : vector<16xf32>
      %jit3A_1557 = arith.constant 0 : i32
      %broadcast_in_dim3A_1558 = vector.broadcast %jit3A_1557 : i32 to vector<16xi32>
      %select_n3A_1559 = arith.select %eq3A_1556, %broadcast_in_dim3A_1558, %select_n3A_1555 : vector<16xi1>, vector<16xi32>
      %abs3A_1560 = math.absf %max3A_1448 : vector<16xf32>
      %neg3A_1561 = arith.constant 0.000000e+00 : f32
      %neg3A_1562 = vector.broadcast %neg3A_1561 : f32 to vector<16xf32>
      %neg3A_1563 = arith.subf %neg3A_1562, %abs3A_1560 : vector<16xf32>
      %exp3A_1564 = math.exp %neg3A_1563 : vector<16xf32>
      %ge3A_1565 = arith.constant 0.000000e+00 : f32
      %ge3A_1566 = vector.broadcast %ge3A_1565 : f32 to vector<16xf32>
      %ge3A_1567 = arith.cmpf oge, %max3A_1448, %ge3A_1566 : vector<16xf32>
      %add3A_1568 = arith.constant 1.000000e+00 : f32
      %add3A_1569 = vector.broadcast %add3A_1568 : f32 to vector<16xf32>
      %add3A_1570 = arith.addf %add3A_1569, %exp3A_1564 : vector<16xf32>
      %div3A_1571 = arith.constant 1.000000e+00 : f32
      %div3A_1572 = vector.broadcast %div3A_1571 : f32 to vector<16xf32>
      %div3A_1573 = arith.divf %div3A_1572, %add3A_1570 : vector<16xf32>
      %add3A_1574 = arith.constant 1.000000e+00 : f32
      %add3A_1575 = vector.broadcast %add3A_1574 : f32 to vector<16xf32>
      %add3A_1576 = arith.addf %add3A_1575, %exp3A_1564 : vector<16xf32>
      %div3A_1577 = arith.divf %exp3A_1564, %add3A_1576 : vector<16xf32>
      %select_n3A_1578 = arith.select %ge3A_1567, %div3A_1573, %div3A_1577 : vector<16xi1>, vector<16xf32>
      %abs3A_1579 = math.absf %max3A_1527 : vector<16xf32>
      %neg3A_1580 = arith.constant 0.000000e+00 : f32
      %neg3A_1581 = vector.broadcast %neg3A_1580 : f32 to vector<16xf32>
      %neg3A_1582 = arith.subf %neg3A_1581, %abs3A_1579 : vector<16xf32>
      %exp3A_1583 = math.exp %neg3A_1582 : vector<16xf32>
      %ge3A_1584 = arith.constant 0.000000e+00 : f32
      %ge3A_1585 = vector.broadcast %ge3A_1584 : f32 to vector<16xf32>
      %ge3A_1586 = arith.cmpf oge, %max3A_1527, %ge3A_1585 : vector<16xf32>
      %add3A_1587 = arith.constant 1.000000e+00 : f32
      %add3A_1588 = vector.broadcast %add3A_1587 : f32 to vector<16xf32>
      %add3A_1589 = arith.addf %add3A_1588, %exp3A_1583 : vector<16xf32>
      %div3A_1590 = arith.constant 1.000000e+00 : f32
      %div3A_1591 = vector.broadcast %div3A_1590 : f32 to vector<16xf32>
      %div3A_1592 = arith.divf %div3A_1591, %add3A_1589 : vector<16xf32>
      %add3A_1593 = arith.constant 1.000000e+00 : f32
      %add3A_1594 = vector.broadcast %add3A_1593 : f32 to vector<16xf32>
      %add3A_1595 = arith.addf %add3A_1594, %exp3A_1583 : vector<16xf32>
      %div3A_1596 = arith.divf %exp3A_1583, %add3A_1595 : vector<16xf32>
      %select_n3A_1597 = arith.select %ge3A_1586, %div3A_1592, %div3A_1596 : vector<16xi1>, vector<16xf32>
      %add3A_1598 = arith.addf %select_n3A_1578, %select_n3A_1597 : vector<16xf32>
      %mul3A_1599 = arith.constant 128 : i32
      %mul3A_1600 = arith.muli %scan3A_96, %mul3A_1599 : i32
      %add3A_1601 = arith.constant 96 : i32
      %add3A_1602 = arith.addi %mul3A_1600, %add3A_1601 : i32
      %div3A_1603 = arith.divf %select_n3A_1578, %add3A_1598 : vector<16xf32>
      %swap3A_1604 = arith.index_cast %add3A_1602 : i32 to index
      %swap3A_1605 = tpu.vector_load %arg5[%swap3A_1604] {strides = array<i32>} : memref<4096xf32, #tpu.memory_space<vmem>>, vector<16xf32>,
      tpu.vector_store %arg5[%swap3A_1604], %div3A_1603 {strides = array<i32>} : memref<4096xf32, #tpu.memory_space<vmem>>, vector<16xf32>,
      %div3A_1606 = arith.divf %select_n3A_1597, %add3A_1598 : vector<16xf32>
      %add3A_1607 = arith.constant 1024 : i32
      %add3A_1608 = arith.addi %add3A_1607, %add3A_1602 : i32
      %swap3A_1609 = arith.index_cast %add3A_1608 : i32 to index
      %swap3A_1610 = tpu.vector_load %arg5[%swap3A_1609] {strides = array<i32>} : memref<4096xf32, #tpu.memory_space<vmem>>, vector<16xf32>,
      tpu.vector_store %arg5[%swap3A_1609], %div3A_1606 {strides = array<i32>} : memref<4096xf32, #tpu.memory_space<vmem>>, vector<16xf32>,
      %convert_element_type3A_1611 = arith.sitofp %select_n3A_1480 : vector<16xi32> to vector<16xf32>
      %add3A_1612 = arith.constant 2048 : i32
      %add3A_1613 = arith.addi %add3A_1612, %add3A_1602 : i32
      %swap3A_1614 = arith.index_cast %add3A_1613 : i32 to index
      %swap3A_1615 = tpu.vector_load %arg5[%swap3A_1614] {strides = array<i32>} : memref<4096xf32, #tpu.memory_space<vmem>>, vector<16xf32>,
      tpu.vector_store %arg5[%swap3A_1614], %convert_element_type3A_1611 {strides = array<i32>} : memref<4096xf32, #tpu.memory_space<vmem>>, vector<16xf32>,
      %convert_element_type3A_1616 = arith.sitofp %select_n3A_1559 : vector<16xi32> to vector<16xf32>
      %add3A_1617 = arith.constant 3072 : i32
      %add3A_1618 = arith.addi %add3A_1617, %add3A_1602 : i32
      %swap3A_1619 = arith.index_cast %add3A_1618 : i32 to index
      %swap3A_1620 = tpu.vector_load %arg5[%swap3A_1619] {strides = array<i32>} : memref<4096xf32, #tpu.memory_space<vmem>>, vector<16xf32>,
      tpu.vector_store %arg5[%swap3A_1619], %convert_element_type3A_1616 {strides = array<i32>} : memref<4096xf32, #tpu.memory_space<vmem>>, vector<16xf32>,
      %get3A_1621 = arith.constant 0 : i32
      %get3A_1622 = arith.index_cast %scan3A_96 : i32 to index
      %get3A_1623 = arith.index_cast %get3A_1621 : i32 to index
      %get3A_1624 = arith.constant 112 : index
      %get3A_1625 = tpu.vector_load %arg4[%get3A_1622, %get3A_1623, %get3A_1624] {strides = array<i32>} : memref<8x8x128xf32, #tpu.memory_space<vmem>>, vector<16xf32>,
      %get3A_1626 = arith.constant 1 : i32
      %get3A_1627 = arith.index_cast %scan3A_96 : i32 to index
      %get3A_1628 = arith.index_cast %get3A_1626 : i32 to index
      %get3A_1629 = arith.constant 112 : index
      %get3A_1630 = tpu.vector_load %arg4[%get3A_1627, %get3A_1628, %get3A_1629] {strides = array<i32>} : memref<8x8x128xf32, #tpu.memory_space<vmem>>, vector<16xf32>,
      %get3A_1631 = arith.constant 2 : i32
      %get3A_1632 = arith.index_cast %scan3A_96 : i32 to index
      %get3A_1633 = arith.index_cast %get3A_1631 : i32 to index
      %get3A_1634 = arith.constant 112 : index
      %get3A_1635 = tpu.vector_load %arg4[%get3A_1632, %get3A_1633, %get3A_1634] {strides = array<i32>} : memref<8x8x128xf32, #tpu.memory_space<vmem>>, vector<16xf32>,
      %get3A_1636 = arith.constant 3 : i32
      %get3A_1637 = arith.index_cast %scan3A_96 : i32 to index
      %get3A_1638 = arith.index_cast %get3A_1636 : i32 to index
      %get3A_1639 = arith.constant 112 : index
      %get3A_1640 = tpu.vector_load %arg4[%get3A_1637, %get3A_1638, %get3A_1639] {strides = array<i32>} : memref<8x8x128xf32, #tpu.memory_space<vmem>>, vector<16xf32>,
      %get3A_1641 = arith.constant 4 : i32
      %get3A_1642 = arith.index_cast %scan3A_96 : i32 to index
      %get3A_1643 = arith.index_cast %get3A_1641 : i32 to index
      %get3A_1644 = arith.constant 112 : index
      %get3A_1645 = tpu.vector_load %arg4[%get3A_1642, %get3A_1643, %get3A_1644] {strides = array<i32>} : memref<8x8x128xf32, #tpu.memory_space<vmem>>, vector<16xf32>,
      %get3A_1646 = arith.constant 5 : i32
      %get3A_1647 = arith.index_cast %scan3A_96 : i32 to index
      %get3A_1648 = arith.index_cast %get3A_1646 : i32 to index
      %get3A_1649 = arith.constant 112 : index
      %get3A_1650 = tpu.vector_load %arg4[%get3A_1647, %get3A_1648, %get3A_1649] {strides = array<i32>} : memref<8x8x128xf32, #tpu.memory_space<vmem>>, vector<16xf32>,
      %get3A_1651 = arith.constant 6 : i32
      %get3A_1652 = arith.index_cast %scan3A_96 : i32 to index
      %get3A_1653 = arith.index_cast %get3A_1651 : i32 to index
      %get3A_1654 = arith.constant 112 : index
      %get3A_1655 = tpu.vector_load %arg4[%get3A_1652, %get3A_1653, %get3A_1654] {strides = array<i32>} : memref<8x8x128xf32, #tpu.memory_space<vmem>>, vector<16xf32>,
      %get3A_1656 = arith.constant 7 : i32
      %get3A_1657 = arith.index_cast %scan3A_96 : i32 to index
      %get3A_1658 = arith.index_cast %get3A_1656 : i32 to index
      %get3A_1659 = arith.constant 112 : index
      %get3A_1660 = tpu.vector_load %arg4[%get3A_1657, %get3A_1658, %get3A_1659] {strides = array<i32>} : memref<8x8x128xf32, #tpu.memory_space<vmem>>, vector<16xf32>,
      %max3A_1661 = arith.maximumf %get3A_1625, %get3A_1630 : vector<16xf32>
      %max3A_1662 = arith.maximumf %max3A_1661, %get3A_1635 : vector<16xf32>
      %max3A_1663 = arith.maximumf %max3A_1662, %get3A_1640 : vector<16xf32>
      %max3A_1664 = arith.maximumf %max3A_1663, %get3A_1645 : vector<16xf32>
      %max3A_1665 = arith.maximumf %max3A_1664, %get3A_1650 : vector<16xf32>
      %max3A_1666 = arith.maximumf %max3A_1665, %get3A_1655 : vector<16xf32>
      %max3A_1667 = arith.maximumf %max3A_1666, %get3A_1660 : vector<16xf32>
      %eq3A_1668 = arith.cmpf oeq, %get3A_1660, %max3A_1667 : vector<16xf32>
      %jit3A_1669 = arith.constant 7 : i32
      %broadcast_in_dim3A_1670 = vector.broadcast %jit3A_1669 : i32 to vector<16xi32>
      %select_n3A_1671 = arith.select %eq3A_1668, %broadcast_in_dim3A_1670, %broadcast_in_dim3A_19 : vector<16xi1>, vector<16xi32>
      %eq3A_1672 = arith.cmpf oeq, %get3A_1655, %max3A_1667 : vector<16xf32>
      %jit3A_1673 = arith.constant 6 : i32
      %broadcast_in_dim3A_1674 = vector.broadcast %jit3A_1673 : i32 to vector<16xi32>
      %select_n3A_1675 = arith.select %eq3A_1672, %broadcast_in_dim3A_1674, %select_n3A_1671 : vector<16xi1>, vector<16xi32>
      %eq3A_1676 = arith.cmpf oeq, %get3A_1650, %max3A_1667 : vector<16xf32>
      %jit3A_1677 = arith.constant 5 : i32
      %broadcast_in_dim3A_1678 = vector.broadcast %jit3A_1677 : i32 to vector<16xi32>
      %select_n3A_1679 = arith.select %eq3A_1676, %broadcast_in_dim3A_1678, %select_n3A_1675 : vector<16xi1>, vector<16xi32>
      %eq3A_1680 = arith.cmpf oeq, %get3A_1645, %max3A_1667 : vector<16xf32>
      %jit3A_1681 = arith.constant 4 : i32
      %broadcast_in_dim3A_1682 = vector.broadcast %jit3A_1681 : i32 to vector<16xi32>
      %select_n3A_1683 = arith.select %eq3A_1680, %broadcast_in_dim3A_1682, %select_n3A_1679 : vector<16xi1>, vector<16xi32>
      %eq3A_1684 = arith.cmpf oeq, %get3A_1640, %max3A_1667 : vector<16xf32>
      %jit3A_1685 = arith.constant 3 : i32
      %broadcast_in_dim3A_1686 = vector.broadcast %jit3A_1685 : i32 to vector<16xi32>
      %select_n3A_1687 = arith.select %eq3A_1684, %broadcast_in_dim3A_1686, %select_n3A_1683 : vector<16xi1>, vector<16xi32>
      %eq3A_1688 = arith.cmpf oeq, %get3A_1635, %max3A_1667 : vector<16xf32>
      %jit3A_1689 = arith.constant 2 : i32
      %broadcast_in_dim3A_1690 = vector.broadcast %jit3A_1689 : i32 to vector<16xi32>
      %select_n3A_1691 = arith.select %eq3A_1688, %broadcast_in_dim3A_1690, %select_n3A_1687 : vector<16xi1>, vector<16xi32>
      %eq3A_1692 = arith.cmpf oeq, %get3A_1630, %max3A_1667 : vector<16xf32>
      %jit3A_1693 = arith.constant 1 : i32
      %broadcast_in_dim3A_1694 = vector.broadcast %jit3A_1693 : i32 to vector<16xi32>
      %select_n3A_1695 = arith.select %eq3A_1692, %broadcast_in_dim3A_1694, %select_n3A_1691 : vector<16xi1>, vector<16xi32>
      %eq3A_1696 = arith.cmpf oeq, %get3A_1625, %max3A_1667 : vector<16xf32>
      %jit3A_1697 = arith.constant 0 : i32
      %broadcast_in_dim3A_1698 = vector.broadcast %jit3A_1697 : i32 to vector<16xi32>
      %select_n3A_1699 = arith.select %eq3A_1696, %broadcast_in_dim3A_1698, %select_n3A_1695 : vector<16xi1>, vector<16xi32>
      %eq3A_1700 = arith.constant 0 : i32
      %eq3A_1701 = vector.broadcast %eq3A_1700 : i32 to vector<16xi32>
      %eq3A_1702 = arith.cmpi eq, %select_n3A_1699, %eq3A_1701 : vector<16xi32>
      %broadcast_in_dim3A_1703 = vector.broadcast %scan3A_20 : f32 to vector<16xf32>
      %select_n3A_1704 = arith.select %eq3A_1702, %broadcast_in_dim3A_1703, %get3A_1625 : vector<16xi1>, vector<16xf32>
      %eq3A_1705 = arith.constant 1 : i32
      %eq3A_1706 = vector.broadcast %eq3A_1705 : i32 to vector<16xi32>
      %eq3A_1707 = arith.cmpi eq, %select_n3A_1699, %eq3A_1706 : vector<16xi32>
      %broadcast_in_dim3A_1708 = vector.broadcast %scan3A_20 : f32 to vector<16xf32>
      %select_n3A_1709 = arith.select %eq3A_1707, %broadcast_in_dim3A_1708, %get3A_1630 : vector<16xi1>, vector<16xf32>
      %eq3A_1710 = arith.constant 2 : i32
      %eq3A_1711 = vector.broadcast %eq3A_1710 : i32 to vector<16xi32>
      %eq3A_1712 = arith.cmpi eq, %select_n3A_1699, %eq3A_1711 : vector<16xi32>
      %broadcast_in_dim3A_1713 = vector.broadcast %scan3A_20 : f32 to vector<16xf32>
      %select_n3A_1714 = arith.select %eq3A_1712, %broadcast_in_dim3A_1713, %get3A_1635 : vector<16xi1>, vector<16xf32>
      %eq3A_1715 = arith.constant 3 : i32
      %eq3A_1716 = vector.broadcast %eq3A_1715 : i32 to vector<16xi32>
      %eq3A_1717 = arith.cmpi eq, %select_n3A_1699, %eq3A_1716 : vector<16xi32>
      %broadcast_in_dim3A_1718 = vector.broadcast %scan3A_20 : f32 to vector<16xf32>
      %select_n3A_1719 = arith.select %eq3A_1717, %broadcast_in_dim3A_1718, %get3A_1640 : vector<16xi1>, vector<16xf32>
      %eq3A_1720 = arith.constant 4 : i32
      %eq3A_1721 = vector.broadcast %eq3A_1720 : i32 to vector<16xi32>
      %eq3A_1722 = arith.cmpi eq, %select_n3A_1699, %eq3A_1721 : vector<16xi32>
      %broadcast_in_dim3A_1723 = vector.broadcast %scan3A_20 : f32 to vector<16xf32>
      %select_n3A_1724 = arith.select %eq3A_1722, %broadcast_in_dim3A_1723, %get3A_1645 : vector<16xi1>, vector<16xf32>
      %eq3A_1725 = arith.constant 5 : i32
      %eq3A_1726 = vector.broadcast %eq3A_1725 : i32 to vector<16xi32>
      %eq3A_1727 = arith.cmpi eq, %select_n3A_1699, %eq3A_1726 : vector<16xi32>
      %broadcast_in_dim3A_1728 = vector.broadcast %scan3A_20 : f32 to vector<16xf32>
      %select_n3A_1729 = arith.select %eq3A_1727, %broadcast_in_dim3A_1728, %get3A_1650 : vector<16xi1>, vector<16xf32>
      %eq3A_1730 = arith.constant 6 : i32
      %eq3A_1731 = vector.broadcast %eq3A_1730 : i32 to vector<16xi32>
      %eq3A_1732 = arith.cmpi eq, %select_n3A_1699, %eq3A_1731 : vector<16xi32>
      %broadcast_in_dim3A_1733 = vector.broadcast %scan3A_20 : f32 to vector<16xf32>
      %select_n3A_1734 = arith.select %eq3A_1732, %broadcast_in_dim3A_1733, %get3A_1655 : vector<16xi1>, vector<16xf32>
      %eq3A_1735 = arith.constant 7 : i32
      %eq3A_1736 = vector.broadcast %eq3A_1735 : i32 to vector<16xi32>
      %eq3A_1737 = arith.cmpi eq, %select_n3A_1699, %eq3A_1736 : vector<16xi32>
      %broadcast_in_dim3A_1738 = vector.broadcast %scan3A_20 : f32 to vector<16xf32>
      %select_n3A_1739 = arith.select %eq3A_1737, %broadcast_in_dim3A_1738, %get3A_1660 : vector<16xi1>, vector<16xf32>
      %max3A_1740 = arith.maximumf %select_n3A_1704, %select_n3A_1709 : vector<16xf32>
      %max3A_1741 = arith.maximumf %max3A_1740, %select_n3A_1714 : vector<16xf32>
      %max3A_1742 = arith.maximumf %max3A_1741, %select_n3A_1719 : vector<16xf32>
      %max3A_1743 = arith.maximumf %max3A_1742, %select_n3A_1724 : vector<16xf32>
      %max3A_1744 = arith.maximumf %max3A_1743, %select_n3A_1729 : vector<16xf32>
      %max3A_1745 = arith.maximumf %max3A_1744, %select_n3A_1734 : vector<16xf32>
      %max3A_1746 = arith.maximumf %max3A_1745, %select_n3A_1739 : vector<16xf32>
      %eq3A_1747 = arith.cmpf oeq, %select_n3A_1739, %max3A_1746 : vector<16xf32>
      %jit3A_1748 = arith.constant 7 : i32
      %broadcast_in_dim3A_1749 = vector.broadcast %jit3A_1748 : i32 to vector<16xi32>
      %select_n3A_1750 = arith.select %eq3A_1747, %broadcast_in_dim3A_1749, %broadcast_in_dim3A_19 : vector<16xi1>, vector<16xi32>
      %eq3A_1751 = arith.cmpf oeq, %select_n3A_1734, %max3A_1746 : vector<16xf32>
      %jit3A_1752 = arith.constant 6 : i32
      %broadcast_in_dim3A_1753 = vector.broadcast %jit3A_1752 : i32 to vector<16xi32>
      %select_n3A_1754 = arith.select %eq3A_1751, %broadcast_in_dim3A_1753, %select_n3A_1750 : vector<16xi1>, vector<16xi32>
      %eq3A_1755 = arith.cmpf oeq, %select_n3A_1729, %max3A_1746 : vector<16xf32>
      %jit3A_1756 = arith.constant 5 : i32
      %broadcast_in_dim3A_1757 = vector.broadcast %jit3A_1756 : i32 to vector<16xi32>
      %select_n3A_1758 = arith.select %eq3A_1755, %broadcast_in_dim3A_1757, %select_n3A_1754 : vector<16xi1>, vector<16xi32>
      %eq3A_1759 = arith.cmpf oeq, %select_n3A_1724, %max3A_1746 : vector<16xf32>
      %jit3A_1760 = arith.constant 4 : i32
      %broadcast_in_dim3A_1761 = vector.broadcast %jit3A_1760 : i32 to vector<16xi32>
      %select_n3A_1762 = arith.select %eq3A_1759, %broadcast_in_dim3A_1761, %select_n3A_1758 : vector<16xi1>, vector<16xi32>
      %eq3A_1763 = arith.cmpf oeq, %select_n3A_1719, %max3A_1746 : vector<16xf32>
      %jit3A_1764 = arith.constant 3 : i32
      %broadcast_in_dim3A_1765 = vector.broadcast %jit3A_1764 : i32 to vector<16xi32>
      %select_n3A_1766 = arith.select %eq3A_1763, %broadcast_in_dim3A_1765, %select_n3A_1762 : vector<16xi1>, vector<16xi32>
      %eq3A_1767 = arith.cmpf oeq, %select_n3A_1714, %max3A_1746 : vector<16xf32>
      %jit3A_1768 = arith.constant 2 : i32
      %broadcast_in_dim3A_1769 = vector.broadcast %jit3A_1768 : i32 to vector<16xi32>
      %select_n3A_1770 = arith.select %eq3A_1767, %broadcast_in_dim3A_1769, %select_n3A_1766 : vector<16xi1>, vector<16xi32>
      %eq3A_1771 = arith.cmpf oeq, %select_n3A_1709, %max3A_1746 : vector<16xf32>
      %jit3A_1772 = arith.constant 1 : i32
      %broadcast_in_dim3A_1773 = vector.broadcast %jit3A_1772 : i32 to vector<16xi32>
      %select_n3A_1774 = arith.select %eq3A_1771, %broadcast_in_dim3A_1773, %select_n3A_1770 : vector<16xi1>, vector<16xi32>
      %eq3A_1775 = arith.cmpf oeq, %select_n3A_1704, %max3A_1746 : vector<16xf32>
      %jit3A_1776 = arith.constant 0 : i32
      %broadcast_in_dim3A_1777 = vector.broadcast %jit3A_1776 : i32 to vector<16xi32>
      %select_n3A_1778 = arith.select %eq3A_1775, %broadcast_in_dim3A_1777, %select_n3A_1774 : vector<16xi1>, vector<16xi32>
      %abs3A_1779 = math.absf %max3A_1667 : vector<16xf32>
      %neg3A_1780 = arith.constant 0.000000e+00 : f32
      %neg3A_1781 = vector.broadcast %neg3A_1780 : f32 to vector<16xf32>
      %neg3A_1782 = arith.subf %neg3A_1781, %abs3A_1779 : vector<16xf32>
      %exp3A_1783 = math.exp %neg3A_1782 : vector<16xf32>
      %ge3A_1784 = arith.constant 0.000000e+00 : f32
      %ge3A_1785 = vector.broadcast %ge3A_1784 : f32 to vector<16xf32>
      %ge3A_1786 = arith.cmpf oge, %max3A_1667, %ge3A_1785 : vector<16xf32>
      %add3A_1787 = arith.constant 1.000000e+00 : f32
      %add3A_1788 = vector.broadcast %add3A_1787 : f32 to vector<16xf32>
      %add3A_1789 = arith.addf %add3A_1788, %exp3A_1783 : vector<16xf32>
      %div3A_1790 = arith.constant 1.000000e+00 : f32
      %div3A_1791 = vector.broadcast %div3A_1790 : f32 to vector<16xf32>
      %div3A_1792 = arith.divf %div3A_1791, %add3A_1789 : vector<16xf32>
      %add3A_1793 = arith.constant 1.000000e+00 : f32
      %add3A_1794 = vector.broadcast %add3A_1793 : f32 to vector<16xf32>
      %add3A_1795 = arith.addf %add3A_1794, %exp3A_1783 : vector<16xf32>
      %div3A_1796 = arith.divf %exp3A_1783, %add3A_1795 : vector<16xf32>
      %select_n3A_1797 = arith.select %ge3A_1786, %div3A_1792, %div3A_1796 : vector<16xi1>, vector<16xf32>
      %abs3A_1798 = math.absf %max3A_1746 : vector<16xf32>
      %neg3A_1799 = arith.constant 0.000000e+00 : f32
      %neg3A_1800 = vector.broadcast %neg3A_1799 : f32 to vector<16xf32>
      %neg3A_1801 = arith.subf %neg3A_1800, %abs3A_1798 : vector<16xf32>
      %exp3A_1802 = math.exp %neg3A_1801 : vector<16xf32>
      %ge3A_1803 = arith.constant 0.000000e+00 : f32
      %ge3A_1804 = vector.broadcast %ge3A_1803 : f32 to vector<16xf32>
      %ge3A_1805 = arith.cmpf oge, %max3A_1746, %ge3A_1804 : vector<16xf32>
      %add3A_1806 = arith.constant 1.000000e+00 : f32
      %add3A_1807 = vector.broadcast %add3A_1806 : f32 to vector<16xf32>
      %add3A_1808 = arith.addf %add3A_1807, %exp3A_1802 : vector<16xf32>
      %div3A_1809 = arith.constant 1.000000e+00 : f32
      %div3A_1810 = vector.broadcast %div3A_1809 : f32 to vector<16xf32>
      %div3A_1811 = arith.divf %div3A_1810, %add3A_1808 : vector<16xf32>
      %add3A_1812 = arith.constant 1.000000e+00 : f32
      %add3A_1813 = vector.broadcast %add3A_1812 : f32 to vector<16xf32>
      %add3A_1814 = arith.addf %add3A_1813, %exp3A_1802 : vector<16xf32>
      %div3A_1815 = arith.divf %exp3A_1802, %add3A_1814 : vector<16xf32>
      %select_n3A_1816 = arith.select %ge3A_1805, %div3A_1811, %div3A_1815 : vector<16xi1>, vector<16xf32>
      %add3A_1817 = arith.addf %select_n3A_1797, %select_n3A_1816 : vector<16xf32>
      %mul3A_1818 = arith.constant 128 : i32
      %mul3A_1819 = arith.muli %scan3A_96, %mul3A_1818 : i32
      %add3A_1820 = arith.constant 112 : i32
      %add3A_1821 = arith.addi %mul3A_1819, %add3A_1820 : i32
      %div3A_1822 = arith.divf %select_n3A_1797, %add3A_1817 : vector<16xf32>
      %swap3A_1823 = arith.index_cast %add3A_1821 : i32 to index
      %swap3A_1824 = tpu.vector_load %arg5[%swap3A_1823] {strides = array<i32>} : memref<4096xf32, #tpu.memory_space<vmem>>, vector<16xf32>,
      tpu.vector_store %arg5[%swap3A_1823], %div3A_1822 {strides = array<i32>} : memref<4096xf32, #tpu.memory_space<vmem>>, vector<16xf32>,
      %div3A_1825 = arith.divf %select_n3A_1816, %add3A_1817 : vector<16xf32>
      %add3A_1826 = arith.constant 1024 : i32
      %add3A_1827 = arith.addi %add3A_1826, %add3A_1821 : i32
      %swap3A_1828 = arith.index_cast %add3A_1827 : i32 to index
      %swap3A_1829 = tpu.vector_load %arg5[%swap3A_1828] {strides = array<i32>} : memref<4096xf32, #tpu.memory_space<vmem>>, vector<16xf32>,
      tpu.vector_store %arg5[%swap3A_1828], %div3A_1825 {strides = array<i32>} : memref<4096xf32, #tpu.memory_space<vmem>>, vector<16xf32>,
      %convert_element_type3A_1830 = arith.sitofp %select_n3A_1699 : vector<16xi32> to vector<16xf32>
      %add3A_1831 = arith.constant 2048 : i32
      %add3A_1832 = arith.addi %add3A_1831, %add3A_1821 : i32
      %swap3A_1833 = arith.index_cast %add3A_1832 : i32 to index
      %swap3A_1834 = tpu.vector_load %arg5[%swap3A_1833] {strides = array<i32>} : memref<4096xf32, #tpu.memory_space<vmem>>, vector<16xf32>,
      tpu.vector_store %arg5[%swap3A_1833], %convert_element_type3A_1830 {strides = array<i32>} : memref<4096xf32, #tpu.memory_space<vmem>>, vector<16xf32>,
      %convert_element_type3A_1835 = arith.sitofp %select_n3A_1778 : vector<16xi32> to vector<16xf32>
      %add3A_1836 = arith.constant 3072 : i32
      %add3A_1837 = arith.addi %add3A_1836, %add3A_1821 : i32
      %swap3A_1838 = arith.index_cast %add3A_1837 : i32 to index
      %swap3A_1839 = tpu.vector_load %arg5[%swap3A_1838] {strides = array<i32>} : memref<4096xf32, #tpu.memory_space<vmem>>, vector<16xf32>,
      tpu.vector_store %arg5[%swap3A_1838], %convert_element_type3A_1835 {strides = array<i32>} : memref<4096xf32, #tpu.memory_space<vmem>>, vector<16xf32>,
    }
    %scan3A_25 = arith.constant 8 : i32
    %dma_start3A = arith.constant 0 : i32
    %dma_start3A_26 = arith.constant 0 : i32
    %dma_start3A_27 = tpu.memref_slice %arg5[%dma_start3A_26] : memref<4096xf32, #tpu.memory_space<vmem>> -> memref<1024xf32, #tpu.memory_space<vmem>>
    %dma_start3A_28 = tpu.memref_slice %arg3[%dma_start3A, %mul3A_2] : memref<8x32768xf32, #tpu.memory_space<hbm>> -> memref<1x1024xf32, #tpu.memory_space<hbm>>
    %dma_start3A_29 = tpu.memref_squeeze %dma_start3A_28 : memref<1x1024xf32, #tpu.memory_space<hbm>> -> memref<1024xf32, #tpu.memory_space<hbm>>
    %dma_start3A_30 = tpu.memref_slice %arg3[%dma_start3A, %mul3A_2] : memref<8x32768xf32, #tpu.memory_space<hbm>> -> memref<1x1024xf32, #tpu.memory_space<hbm>>
    %dma_start3A_31 = tpu.memref_squeeze %dma_start3A_30 : memref<1x1024xf32, #tpu.memory_space<hbm>> -> memref<1024xf32, #tpu.memory_space<hbm>>
    %dma_start3A_32 = arith.constant 0 : i32
    %dma_start3A_33 = tpu.memref_slice %arg5[%dma_start3A_32] : memref<4096xf32, #tpu.memory_space<vmem>> -> memref<1024xf32, #tpu.memory_space<vmem>>
    tpu.enqueue_dma source(%dma_start3A_33 : memref<1024xf32, #tpu.memory_space<vmem>>) target(%dma_start3A_31 : memref<1024xf32, #tpu.memory_space<hbm>>) target_semaphore(%arg6 : memref<!tpu.dma_semaphore, #tpu.memory_space<semaphore_mem>>)
    %dma_start3A_34 = arith.constant 1 : i32
    %dma_start3A_35 = arith.constant 1024 : i32
    %dma_start3A_36 = tpu.memref_slice %arg5[%dma_start3A_35] : memref<4096xf32, #tpu.memory_space<vmem>> -> memref<1024xf32, #tpu.memory_space<vmem>>
    %dma_start3A_37 = tpu.memref_slice %arg3[%dma_start3A_34, %mul3A_2] : memref<8x32768xf32, #tpu.memory_space<hbm>> -> memref<1x1024xf32, #tpu.memory_space<hbm>>
    %dma_start3A_38 = tpu.memref_squeeze %dma_start3A_37 : memref<1x1024xf32, #tpu.memory_space<hbm>> -> memref<1024xf32, #tpu.memory_space<hbm>>
    %dma_start3A_39 = tpu.memref_slice %arg3[%dma_start3A_34, %mul3A_2] : memref<8x32768xf32, #tpu.memory_space<hbm>> -> memref<1x1024xf32, #tpu.memory_space<hbm>>
    %dma_start3A_40 = tpu.memref_squeeze %dma_start3A_39 : memref<1x1024xf32, #tpu.memory_space<hbm>> -> memref<1024xf32, #tpu.memory_space<hbm>>
    %dma_start3A_41 = arith.constant 1024 : i32
    %dma_start3A_42 = tpu.memref_slice %arg5[%dma_start3A_41] : memref<4096xf32, #tpu.memory_space<vmem>> -> memref<1024xf32, #tpu.memory_space<vmem>>
    tpu.enqueue_dma source(%dma_start3A_42 : memref<1024xf32, #tpu.memory_space<vmem>>) target(%dma_start3A_40 : memref<1024xf32, #tpu.memory_space<hbm>>) target_semaphore(%arg6 : memref<!tpu.dma_semaphore, #tpu.memory_space<semaphore_mem>>)
    %dma_start3A_43 = arith.constant 2 : i32
    %dma_start3A_44 = arith.constant 2048 : i32
    %dma_start3A_45 = tpu.memref_slice %arg5[%dma_start3A_44] : memref<4096xf32, #tpu.memory_space<vmem>> -> memref<1024xf32, #tpu.memory_space<vmem>>
    %dma_start3A_46 = tpu.memref_slice %arg3[%dma_start3A_43, %mul3A_2] : memref<8x32768xf32, #tpu.memory_space<hbm>> -> memref<1x1024xf32, #tpu.memory_space<hbm>>
    %dma_start3A_47 = tpu.memref_squeeze %dma_start3A_46 : memref<1x1024xf32, #tpu.memory_space<hbm>> -> memref<1024xf32, #tpu.memory_space<hbm>>
    %dma_start3A_48 = tpu.memref_slice %arg3[%dma_start3A_43, %mul3A_2] : memref<8x32768xf32, #tpu.memory_space<hbm>> -> memref<1x1024xf32, #tpu.memory_space<hbm>>
    %dma_start3A_49 = tpu.memref_squeeze %dma_start3A_48 : memref<1x1024xf32, #tpu.memory_space<hbm>> -> memref<1024xf32, #tpu.memory_space<hbm>>
    %dma_start3A_50 = arith.constant 2048 : i32
    %dma_start3A_51 = tpu.memref_slice %arg5[%dma_start3A_50] : memref<4096xf32, #tpu.memory_space<vmem>> -> memref<1024xf32, #tpu.memory_space<vmem>>
    tpu.enqueue_dma source(%dma_start3A_51 : memref<1024xf32, #tpu.memory_space<vmem>>) target(%dma_start3A_49 : memref<1024xf32, #tpu.memory_space<hbm>>) target_semaphore(%arg6 : memref<!tpu.dma_semaphore, #tpu.memory_space<semaphore_mem>>)
    %dma_start3A_52 = arith.constant 3 : i32
    %dma_start3A_53 = arith.constant 3072 : i32
    %dma_start3A_54 = tpu.memref_slice %arg5[%dma_start3A_53] : memref<4096xf32, #tpu.memory_space<vmem>> -> memref<1024xf32, #tpu.memory_space<vmem>>
    %dma_start3A_55 = tpu.memref_slice %arg3[%dma_start3A_52, %mul3A_2] : memref<8x32768xf32, #tpu.memory_space<hbm>> -> memref<1x1024xf32, #tpu.memory_space<hbm>>
    %dma_start3A_56 = tpu.memref_squeeze %dma_start3A_55 : memref<1x1024xf32, #tpu.memory_space<hbm>> -> memref<1024xf32, #tpu.memory_space<hbm>>
    %dma_start3A_57 = tpu.memref_slice %arg3[%dma_start3A_52, %mul3A_2] : memref<8x32768xf32, #tpu.memory_space<hbm>> -> memref<1x1024xf32, #tpu.memory_space<hbm>>
    %dma_start3A_58 = tpu.memref_squeeze %dma_start3A_57 : memref<1x1024xf32, #tpu.memory_space<hbm>> -> memref<1024xf32, #tpu.memory_space<hbm>>
    %dma_start3A_59 = arith.constant 3072 : i32
    %dma_start3A_60 = tpu.memref_slice %arg5[%dma_start3A_59] : memref<4096xf32, #tpu.memory_space<vmem>> -> memref<1024xf32, #tpu.memory_space<vmem>>
    tpu.enqueue_dma source(%dma_start3A_60 : memref<1024xf32, #tpu.memory_space<vmem>>) target(%dma_start3A_58 : memref<1024xf32, #tpu.memory_space<hbm>>) target_semaphore(%arg6 : memref<!tpu.dma_semaphore, #tpu.memory_space<semaphore_mem>>)
    %dma_wait3A = arith.constant 0 : i32
    %dma_wait3A_61 = arith.constant 0 : i32
    %dma_wait3A_62 = tpu.memref_slice %arg5[%dma_wait3A_61] : memref<4096xf32, #tpu.memory_space<vmem>> -> memref<1024xf32, #tpu.memory_space<vmem>>
    %dma_wait3A_63 = tpu.memref_slice %arg3[%dma_wait3A, %mul3A_2] : memref<8x32768xf32, #tpu.memory_space<hbm>> -> memref<1x1024xf32, #tpu.memory_space<hbm>>
    %dma_wait3A_64 = tpu.memref_squeeze %dma_wait3A_63 : memref<1x1024xf32, #tpu.memory_space<hbm>> -> memref<1024xf32, #tpu.memory_space<hbm>>
    %dma_wait3A_65 = tpu.memref_slice %arg3[%dma_wait3A, %mul3A_2] : memref<8x32768xf32, #tpu.memory_space<hbm>> -> memref<1x1024xf32, #tpu.memory_space<hbm>>
    %dma_wait3A_66 = tpu.memref_squeeze %dma_wait3A_65 : memref<1x1024xf32, #tpu.memory_space<hbm>> -> memref<1024xf32, #tpu.memory_space<hbm>>
    %dma_wait3A_67 = arith.constant 0 : i32
    %dma_wait3A_68 = tpu.memref_slice %arg5[%dma_wait3A_67] : memref<4096xf32, #tpu.memory_space<vmem>> -> memref<1024xf32, #tpu.memory_space<vmem>>
    tpu.wait_dma2 semaphore(%arg6 : memref<!tpu.dma_semaphore, #tpu.memory_space<semaphore_mem>>) src(%dma_wait3A_68 : memref<1024xf32, #tpu.memory_space<vmem>>) dst(%dma_wait3A_66 : memref<1024xf32, #tpu.memory_space<hbm>>)
    %dma_wait3A_69 = arith.constant 1 : i32
    %dma_wait3A_70 = arith.constant 1024 : i32
    %dma_wait3A_71 = tpu.memref_slice %arg5[%dma_wait3A_70] : memref<4096xf32, #tpu.memory_space<vmem>> -> memref<1024xf32, #tpu.memory_space<vmem>>
    %dma_wait3A_72 = tpu.memref_slice %arg3[%dma_wait3A_69, %mul3A_2] : memref<8x32768xf32, #tpu.memory_space<hbm>> -> memref<1x1024xf32, #tpu.memory_space<hbm>>
    %dma_wait3A_73 = tpu.memref_squeeze %dma_wait3A_72 : memref<1x1024xf32, #tpu.memory_space<hbm>> -> memref<1024xf32, #tpu.memory_space<hbm>>
    %dma_wait3A_74 = tpu.memref_slice %arg3[%dma_wait3A_69, %mul3A_2] : memref<8x32768xf32, #tpu.memory_space<hbm>> -> memref<1x1024xf32, #tpu.memory_space<hbm>>
    %dma_wait3A_75 = tpu.memref_squeeze %dma_wait3A_74 : memref<1x1024xf32, #tpu.memory_space<hbm>> -> memref<1024xf32, #tpu.memory_space<hbm>>
    %dma_wait3A_76 = arith.constant 1024 : i32
    %dma_wait3A_77 = tpu.memref_slice %arg5[%dma_wait3A_76] : memref<4096xf32, #tpu.memory_space<vmem>> -> memref<1024xf32, #tpu.memory_space<vmem>>
    tpu.wait_dma2 semaphore(%arg6 : memref<!tpu.dma_semaphore, #tpu.memory_space<semaphore_mem>>) src(%dma_wait3A_77 : memref<1024xf32, #tpu.memory_space<vmem>>) dst(%dma_wait3A_75 : memref<1024xf32, #tpu.memory_space<hbm>>)
    %dma_wait3A_78 = arith.constant 2 : i32
    %dma_wait3A_79 = arith.constant 2048 : i32
    %dma_wait3A_80 = tpu.memref_slice %arg5[%dma_wait3A_79] : memref<4096xf32, #tpu.memory_space<vmem>> -> memref<1024xf32, #tpu.memory_space<vmem>>
    %dma_wait3A_81 = tpu.memref_slice %arg3[%dma_wait3A_78, %mul3A_2] : memref<8x32768xf32, #tpu.memory_space<hbm>> -> memref<1x1024xf32, #tpu.memory_space<hbm>>
    %dma_wait3A_82 = tpu.memref_squeeze %dma_wait3A_81 : memref<1x1024xf32, #tpu.memory_space<hbm>> -> memref<1024xf32, #tpu.memory_space<hbm>>
    %dma_wait3A_83 = tpu.memref_slice %arg3[%dma_wait3A_78, %mul3A_2] : memref<8x32768xf32, #tpu.memory_space<hbm>> -> memref<1x1024xf32, #tpu.memory_space<hbm>>
    %dma_wait3A_84 = tpu.memref_squeeze %dma_wait3A_83 : memref<1x1024xf32, #tpu.memory_space<hbm>> -> memref<1024xf32, #tpu.memory_space<hbm>>
    %dma_wait3A_85 = arith.constant 2048 : i32
    %dma_wait3A_86 = tpu.memref_slice %arg5[%dma_wait3A_85] : memref<4096xf32, #tpu.memory_space<vmem>> -> memref<1024xf32, #tpu.memory_space<vmem>>
    tpu.wait_dma2 semaphore(%arg6 : memref<!tpu.dma_semaphore, #tpu.memory_space<semaphore_mem>>) src(%dma_wait3A_86 : memref<1024xf32, #tpu.memory_space<vmem>>) dst(%dma_wait3A_84 : memref<1024xf32, #tpu.memory_space<hbm>>)
    %dma_wait3A_87 = arith.constant 3 : i32
    %dma_wait3A_88 = arith.constant 3072 : i32
    %dma_wait3A_89 = tpu.memref_slice %arg5[%dma_wait3A_88] : memref<4096xf32, #tpu.memory_space<vmem>> -> memref<1024xf32, #tpu.memory_space<vmem>>
    %dma_wait3A_90 = tpu.memref_slice %arg3[%dma_wait3A_87, %mul3A_2] : memref<8x32768xf32, #tpu.memory_space<hbm>> -> memref<1x1024xf32, #tpu.memory_space<hbm>>
    %dma_wait3A_91 = tpu.memref_squeeze %dma_wait3A_90 : memref<1x1024xf32, #tpu.memory_space<hbm>> -> memref<1024xf32, #tpu.memory_space<hbm>>
    %dma_wait3A_92 = tpu.memref_slice %arg3[%dma_wait3A_87, %mul3A_2] : memref<8x32768xf32, #tpu.memory_space<hbm>> -> memref<1x1024xf32, #tpu.memory_space<hbm>>
    %dma_wait3A_93 = tpu.memref_squeeze %dma_wait3A_92 : memref<1x1024xf32, #tpu.memory_space<hbm>> -> memref<1024xf32, #tpu.memory_space<hbm>>
    %dma_wait3A_94 = arith.constant 3072 : i32
    %dma_wait3A_95 = tpu.memref_slice %arg5[%dma_wait3A_94] : memref<4096xf32, #tpu.memory_space<vmem>> -> memref<1024xf32, #tpu.memory_space<vmem>>
    tpu.wait_dma2 semaphore(%arg6 : memref<!tpu.dma_semaphore, #tpu.memory_space<semaphore_mem>>) src(%dma_wait3A_95 : memref<1024xf32, #tpu.memory_space<vmem>>) dst(%dma_wait3A_93 : memref<1024xf32, #tpu.memory_space<hbm>>)
    return
  }
}

module attributes {stable_mosaic.version = 14 : i64} {
  func.func @_logits_body(%arg0: i32, %arg1: memref<4096x1024xf32, #tpu.memory_space<vmem>>, %arg2: memref<8x1024xf32, #tpu.memory_space<vmem>>, %arg3: memref<32x8x128xf32, #tpu.memory_space<vmem>>) attributes {dimension_semantics = [#tpu.dimension_semantics<arbitrary>], iteration_bounds = array<i64: 8>, scalar_prefetch = 0 : i64, scratch_operands = 0 : i64, tpu.core_type = #tpu.core_type<tc>, window_params = [{transform_indices = @transform_0, window_bounds = array<i64: 4096, 1024>}, {pipeline_mode = #tpu.pipeline_mode<synchronous>, transform_indices = @transform_1, window_bounds = array<i64: 8, 1024>}, {transform_indices = @transform_2, window_bounds = array<i64: 32, 8, 128>}]} {
    %get3A = arith.constant 0 : index
    %get3A_0 = arith.constant 0 : index
    %get3A_1 = vector.load %arg2[%get3A, %get3A_0] : memref<8x1024xf32, #tpu.memory_space<vmem>>, vector<8x1024xf32>
    %get3A_2 = arith.constant 0 : index
    %get3A_3 = arith.constant 0 : index
    %get3A_4 = vector.load %arg1[%get3A_2, %get3A_3] : memref<4096x1024xf32, #tpu.memory_space<vmem>>, vector<4096x1024xf32>
    %dot_general3A = arith.constant dense<0.000000e+00> : vector<8x4096xf32>
    %dot_general3A_5 = tpu.matmul %get3A_1, %get3A_4, %dot_general3A {dimension_numbers = #tpu.dot_dimension_numbers<[1], [1], [0], [0], [0, 0, 1, 0], [], []>, transpose_lhs_hint = false} : vector<8x1024xf32>, vector<4096x1024xf32>, vector<8x4096xf32> -> vector<8x4096xf32>
    %reshape3A = vector.shape_cast %dot_general3A_5 : vector<8x4096xf32> to vector<8x32x128xf32>
    %transpose3A = tpu.transpose %reshape3A, [1, 0, 2] : vector<8x32x128xf32> -> vector<32x8x128xf32>
    %swap3A = arith.constant 0 : index
    %swap3A_6 = arith.constant 0 : index
    %swap3A_7 = arith.constant 0 : index
    %swap3A_8 = vector.load %arg3[%swap3A, %swap3A_6, %swap3A_7] : memref<32x8x128xf32, #tpu.memory_space<vmem>>, vector<32x8x128xf32>
    tpu.vector_store %arg3[%swap3A, %swap3A_6, %swap3A_7], %transpose3A {strides = array<i32>} : memref<32x8x128xf32, #tpu.memory_space<vmem>>, vector<32x8x128xf32>,
    return
  }
  func.func @transform_0(%arg0: i32) -> (i32, i32) {
    %add3A = arith.constant 0 : i32
    %add3A_0 = arith.addi %add3A, %arg0 : i32
    %c0_i32 = arith.constant 0 : i32
    %c0_i32_1 = arith.constant 0 : i32
    return %add3A_0, %c0_i32 : i32, i32
  }
  func.func @transform_1(%arg0: i32) -> (i32, i32) {
    %c0_i32 = arith.constant 0 : i32
    %c0_i32_0 = arith.constant 0 : i32
    %c0_i32_1 = arith.constant 0 : i32
    return %c0_i32, %c0_i32_0 : i32, i32
  }
  func.func @transform_2(%arg0: i32) -> (i32, i32, i32) {
    %c0_i32 = arith.constant 0 : i32
    %c0_i32_0 = arith.constant 0 : i32
    %c0_i32_1 = arith.constant 0 : i32
    return %arg0, %c0_i32, %c0_i32_0 : i32, i32, i32
  }
}

</mosaic_0001>

<sc_bundles>
// kernel: kernel.4.cloned.1.call-start
scs
__scs_entry_jumppad:
0x0: {  	(pc) =	sbr.rel $0x88, $3  }
0x1: {  	(tag) =	ssettag $0x0;
	lr =	simm.s32 $0x1  }
0x2: {  	[smem:$0x3F9F] =	sst lr;
	_ =	strace $0xD0000000  }
0x3: {  	_ = 	snop  }
0x4: {  	_ = 	snop  }
0x5: {  	_ = 	snop  }
0x6: {  	_ = 	snop  }
0x7: {  	_ = 	snop  }
__scs_overlays_trampoline_lowered:
0x8: {  	[smem:$0x3FAE] =	sst s0  }
0x9: {  	[smem:$0x3FAF] =	sst s1  }
0xa: {  	[smem:$0x3FB0] =	sst s2  }
0xb: {  	[smem:$0x3FB1] =	sst s3  }
0xc: {  	[smem:$0x3FB2] =	sst s4  }
0xd: {  	[smem:$0x3FB3] =	sst s5  }
0xe: {  	[smem:$0x3FB4] =	sst s6  }
0xf: {  	[smem:$0x3FB5] =	sst s7  }
0x10: {  	[smem:$0x3FB6] =	sst s8  }
0x11: {  	[smem:$0x3FB7] =	sst s9;
	s0 =	simm.s32 @!p0 $0x0  }
0x12: {  	s1 =	sld [smem:$0x3F9D];
	s0 =	simm.s32 @p0 $0x1  }
0x13: {  	[smem:$0x3FB8] =	sst s0;
	s0 =	simm.s32 @!p1 $0x0  }
0x14: {  	s2 =	sld [smem:$0x3F9C];
	s0 =	simm.s32 @p1 $0x1  }
0x15: {  	[smem:$0x3FB9] =	sst s0;
	s0 =	simm.s32 @!p2 $0x0  }
0x16: {  	s3 =	sld [smem:$0x3FDB];
	s0 =	simm.s32 @p2 $0x1  }
0x17: {  	s4 =	simm.s32 $0x1BF5;
	[smem:$0x3FBB] =	sst s0  }
0x18: {  	s0 =	sld [smem:$0x3F9E];
	_ =	swait.ge [sflag:s4], $0x0  }
0x19: {  	s7 =	sld [smem:$0x3F9F]  }
0x1a: {  	s8 =	sadd.s32 $0xFFFFE003, lr  }
0x1b: {  	s9 =	sadd.s32 $0xFFFFFEF7, lr;
	s5 =	simm.s32 $0xFFFFFFFF;
	p2 =	slt.u32 s8, $0xFFFFF086  }
0x1c: {  	p1 =	slt.u32 s9, $0xF7A;
	s5 =	simm.s32 @!p2 $0x0  }
0x1d: {  	s5 =	simm.s32 @p1 $0x1;
	p0 =	seq.s32 s7, s2  }
0x1e: {  	s7 =	smul.u32 @!p0 $0xF7A, s2;
	p2 =	seq.s32 @!p0 s5, $0x0  }
0x1f: {  	s9 =	smul.u32 $0xF7A, s1;
	s8 =	simm.s32 @!p0 $0x1BF5;
	p2 =	por !p2, p0  }
0x20: {  	[sflag:s8] =	ssyncset.s32 @!p0 $0xFFFFF086;
	s6 =	sadd.s32 @!p0 s3, s7;
	s7 =	simm.s32 @!p0 $0x108  }
0x21: {  	s3 =	sadd.s32 s3, s9;
	s6 =	sadd.s32 @!p0 $0x88, s6;
	s7 =	simm.s32 @p2 $0x1082  }
0x22: {  	[simem:s7], [sflag:s8] =	dma.local @!p0 [hbm:s6], $0xF7A  }
0x23: {  	s9 =	sor.u32 $0xD0000000, s2;
	s6 =	simm.s32 $0x108;
	_ =	swait.ge @!p0 [sflag:s8], $0x0  }
0x24: {  	s3 =	sadd.s32 $0x88, s3;
	s6 =	simm.s32 @!p1 $0x1082;
	[sflag:s4] =	ssyncset.s32 $0xFFFFF086  }
0x25: {  	[simem:s6], [sflag:s4] =	dma.local [hbm:s3], $0xF7A  }
0x26: {  	[smem:$0x3F9F] =	sst s1;
	(tag) =	ssettag s2;
	_ =	strace s9  }
0x27: {  	s1 =	sld [smem:$0x3FAF]  }
0x28: {  	s2 =	sld [smem:$0x3FB0]  }
0x29: {  	s4 =	sld [smem:$0x3FB2]  }
0x2a: {  	p0 =	seq.s32 s5, $0x0;
	s5 =	sld [smem:$0x3FB3]  }
0x2b: {  	s6 =	sld [smem:$0x3FB4]  }
0x2c: {  	s7 =	sld [smem:$0x3FB5]  }
0x2d: {  	s3 =	simm.s32 $0x108;
	s8 =	sld [smem:$0x3FB6]  }
0x2e: {  	s3 =	simm.s32 @!p0 $0x1082;
	s9 =	sld [smem:$0x3FB7]  }
0x2f: {  	lr =	sadd.s32 s0, s3;
	s0 =	sld [smem:$0x3FAE]  }
0x30: {  	s3 =	sld [smem:$0x3FB1]  }
0x31: {  	[smem:$0x3FBA] =	sst s10  }
0x32: {  	s10 =	sld [smem:$0x3FB8];
	_ =	sdelay $0x3  }
0x33: {  	p0 =	seq.s32 s10, $0x1;
	s10 =	sld [smem:$0x3FBA];
	_ =	sdelay $0x3  }
0x34: {  	[smem:$0x3FBA] =	sst s10  }
0x35: {  	s10 =	sld [smem:$0x3FB9];
	_ =	sdelay $0x3  }
0x36: {  	p1 =	seq.s32 s10, $0x1;
	s10 =	sld [smem:$0x3FBA];
	_ =	sdelay $0x3  }
0x37: {  	[smem:$0x3FBA] =	sst s10  }
0x38: {  	s10 =	sld [smem:$0x3FBB]  }
0x39: {  	_ = 	snop;
	(pc) =	sbr.ind lr, $3  }
0x3a: {  	_ = 	snop  }
0x3b: {  	_ = 	snop  }
0x3c: {  	p2 =	seq.s32 s10, $0x1;
	s10 =	sld [smem:$0x3FBA]  }
0x3d: {  	_ =	shalt  }
0x3e: {  	_ =	shalt  }
0x3f: {  	_ =	shalt  }
0x40: {  	_ =	shalt  }
0x41: {  	_ =	shalt  }
0x42: {  	_ =	shalt  }
0x43: {  	_ =	shalt  }
0x44: {  	_ =	shalt  }
0x45: {  	_ =	shalt  }
0x46: {  	_ =	shalt  }
0x47: {  	_ =	shalt  }
0x48: {  	_ =	shalt  }
0x49: {  	_ =	shalt  }
0x4a: {  	_ =	shalt  }
0x4b: {  	_ =	shalt  }
0x4c: {  	_ =	shalt  }
0x4d: {  	_ =	shalt  }
0x4e: {  	_ =	shalt  }
0x4f: {  	_ =	shalt  }
0x50: {  	_ =	shalt  }
0x51: {  	_ =	shalt  }
0x52: {  	_ =	shalt  }
0x53: {  	_ =	shalt  }
0x54: {  	_ =	shalt  }
0x55: {  	_ =	shalt  }
0x56: {  	_ =	shalt  }
0x57: {  	_ =	shalt  }
0x58: {  	_ =	shalt  }
0x59: {  	_ =	shalt  }
0x5a: {  	_ =	shalt  }
0x5b: {  	_ =	shalt  }
0x5c: {  	_ =	shalt  }
0x5d: {  	_ =	shalt  }
0x5e: {  	_ =	shalt  }
0x5f: {  	_ =	shalt  }
0x60: {  	_ =	shalt  }
0x61: {  	_ =	shalt  }
0x62: {  	_ =	shalt  }
0x63: {  	_ =	shalt  }
0x64: {  	_ =	shalt  }
0x65: {  	_ =	shalt  }
0x66: {  	_ =	shalt  }
0x67: {  	_ =	shalt  }
0x68: {  	_ =	shalt  }
0x69: {  	_ =	shalt  }
0x6a: {  	_ =	shalt  }
0x6b: {  	_ =	shalt  }
0x6c: {  	_ =	shalt  }
0x6d: {  	_ =	shalt  }
0x6e: {  	_ =	shalt  }
0x6f: {  	_ =	shalt  }
0x70: {  	_ =	shalt  }
0x71: {  	_ =	shalt  }
0x72: {  	_ =	shalt  }
0x73: {  	_ =	shalt  }
0x74: {  	_ =	shalt  }
0x75: {  	_ =	shalt  }
0x76: {  	_ =	shalt  }
0x77: {  	_ =	shalt  }
0x78: {  	_ =	shalt  }
0x79: {  	_ =	shalt  }
0x7a: {  	_ =	shalt  }
0x7b: {  	_ =	shalt  }
0x7c: {  	_ =	shalt  }
0x7d: {  	_ =	shalt  }
0x7e: {  	_ =	shalt  }
0x7f: {  	_ =	shalt  }
0x80: {  	_ =	shalt  }
0x81: {  	_ =	shalt  }
0x82: {  	_ =	shalt  }
0x83: {  	_ =	shalt  }
0x84: {  	_ =	shalt  }
0x85: {  	_ =	shalt  }
0x86: {  	_ =	shalt  }
0x87: {  	_ =	shalt  }
.Lfunc_end0:
.L_simem_size_0:
called_computation_lowered:
.L_overlay_start_0:
0x88: {  	s2 =	sld [smem:$0x3FD9]  }
0x89: {  	s3 =	sld [smem:$0x3FFE];
	_ =	sdelay $0x1  }
0x8a: {  	s1 =	srdreg.scid  }
0x8b: {  	s0 =	sand.u32 $0x1, s1  }
0x8c: {  	s16 =	sshll.u32 s0, $0xA;
	s2 =	sadd.s32 s3, s2  }
0x8d: {  	s2 =	sadd.s32 s2, s16  }
0x8e: {  	[smem:$0x3FC6] =	sst s2  }
0x8f: {  	_ = 	snop  }
0x90: {  	(tm) =	ssettm $0x1  }
0x91: {  	s17 =	sld [smem:$0x3FFB];
	_ =	sdelay $0x3  }
0x92: {  	_ =	strace s17  }
0x93: {  	s2 =	sld [smem:$0x3FFC];
	_ =	sdelay $0x3  }
0x94: {  	_ =	strace s2  }
0x95: {  	s2 =	sld [smem:$0x3FFD];
	_ =	sdelay $0x3  }
0x96: {  	_ =	strace s2  }
0x97: {  	_ =	strace $0x8FFFFFFF  }
0x98: {  	s18 =	sld [smem:$0x3FDB];
	_ =	sdelay $0x1  }
0x99: {  	s19 =	simm.s32 $_scs_section_size  }
0x9a: {  	s4 =	simm.s32 $_size__tile_overlayer_lowered;
	s5 =	simm.s32 $_tile_overlayer_lowered  }
0x9b: {  	s22 =	simm.s32 $0x1BFF;
	s21 =	sshll.u32 s5, $0x1;
	s2 =	sadd.s32 s19, s18  }
0x9c: {  	s6 =	simm.s32 $0x0;
	s20 =	sshll.u32 s4, $0x1;
	s4 =	sadd.s32 s21, s2  }
0x9d: {  	[timem:s6], [sflag:s22] =	dma.local [hbm:s4], s20  }
0x9e: {  	_ =	swait.ge [sflag:s22], s20  }
0x9f: {  	s3 =	ssub.s32 $0x0, s20;
	[sflag:s22] =	ssyncset.done $0x0  }
0xa0: {  	[sflag:s22] =	ssyncadd.s32 s3;
	_ =	sdelay $0x1  }
0xa1: {  	s23 =	simm.s32 $0x1B8B  }
0xa2: {  	_ =	swait.ge [sflag:s23], $0x1  }
0xa3: {  	[sflag:s23] =	ssyncset.done $0x0  }
0xa4: {  	s25 =	simm.s32 $0x1B8E;
	s24 =	sld [smem:$0x3FFE];
	[sflag:s23] =	ssyncadd.s32 $0xFFFFFFFF  }
0xa5: {  	s26 =	simm.s32 $execute0_lowered;
	[smem:$0x3FD2] =	sst s25  }
0xa6: {  	s4 =	sshll.u32 s26, $0x1;
	_ =	strace $0x80000046;
	[dreg:$0x1] =	wrdreg $0xFFFFFFFF  }
0xa7: {  	s28 =	simm.s32 $_size_execute0_lowered;
	s2 =	sadd.s32 s2, s4;
	[dreg:$0x0] =	wrdreg $0x0  }
0xa8: {  	s4 =	sshll.u32 s28, $0x1;
	[dreg:$0x2] =	wrdreg s2  }
0xa9: {  	[dreg:$0x3] =	wrdreg s4  }
0xaa: {  	[dreg:$0x4] =	wrdreg $0xC0  }
0xab: {  	_ =	task [dreg:s6], $0x5FFFF  }
0xac: {  	[dreg:$0x1] =	wrdreg $0xFFFFFFFF  }
0xad: {  	[dreg:$0x0] =	wrdreg $0x60  }
0xae: {  	[dreg:$0x2] =	wrdreg s24  }
0xaf: {  	[dreg:$0x3] =	wrdreg $0x9  }
0xb0: {  	_ =	task.clear_ibuf [dreg:s6], $0x4FFFF;
	_ =	strace $0x90000046  }
0xb1: {  	s29 =	simm.s32 $0x9;
	_ =	strace $0x80000048  }
0xb2: {  	_ =	swait.ge [sflag:s29], $0x1  }
0xb3: {  	[sflag:s29] =	ssyncadd.s32 $0xFFFFFFFF  }
0xb4: {  	_ =	strace $0x90000048  }
0xb5: {  	_ =	sfence  }
0xb6: {  	s30 =	sld [smem:$0x0];
	_ =	sdelay $0x2  }
0xb7: {  	s31 =	sshll.u32 s1, $0xD;
	s1 =	sshrl.u32 s1, $0x2  }
0xb8: {  	s3 =	sand.u32 $0x4000, s31;
	s1 =	sadd.s32 s1, s30  }
0xb9: {  	s0 =	sor.u32 s3, s0;
	s1 =	sshll.u32 s1, $0x11  }
0xba: {  	s0 =	sor.u32 s1, s0  }
0xbb: {  	s0 =	sadd.s32 $0x8F2B, s0  }
0xbc: {  	[sflag:s0] =	ssyncadd.remote.s32 $0x1  }
0xbd: {  	_ =	sfence.sel $0xFFFF  }
0xbe: {  	[dreg:$0x0] =	wrdreg $0xFFFFFFFF;
	(pc) =	sbr.abs _section_cstart, $3  }
0xbf: {  	[dreg:$0x1] =	wrdreg $0xFFFFFFFF  }
0xc0: {  	_ =	task.clear_ibuf [dreg:s6], $0x2FFFF;
	_ =	strace $0x9FFFFFFF  }
0xc1: {  	(tm) =	ssettm $0x7FFFFFFF  }
tec
execute0_lowered:
.L_overlay_start_1:
0x0: {  	(tag) =	ssettag $0x1  }
0x1: {  	s3 =	rddreg [dreg:$0x0]  }
0x2: {  	s0 =	rddreg [dreg:$0x1];
	s4 =	srdreg.scid  }
0x3: {  	s2 =	simm.s32 $0x0;
	s1 =	stileid.u32;
	s10 =	simm.s32 $0x2000  }
0x4: {  	s11 =	simm.s32 $0x2400;
	s12 =	simm.s32 $0x2800;
	s13 =	simm.s32 $0x2C00  }
0x5: {  	s14 =	simm.s32 $0x1;
	s15 =	simm.s32 $0x0;
	s4 =	sand.u32 $0x1, s4  }
0x6: {  	[smem:$0x7FF] =	sst s2;
	s5 =	sshll.u32 s1, $0xB;
	s6 =	sshll.u32 s4, $0xA  }
0x7: {  	_ =	strace $0x80000047;
	s4 =	ssub.s32 $0x2, s4;
	s5 =	sor.u32 s6, s5  }
0x8: {  	s7 =	sshrl.u32 s4, $0x1;
	s6 =	sadd.s32 s5, s3;
	s5 =	sshrl.u32 s5, $0x3  }
0x9: {  	s9 =	ssub.s32 s4, s7;
	s8 =	sadd.s32 s5, s3;
	s3 =	sadd.s32 $0xA00, s6  }
0xa: {  	s4 =	sadd.s32 $0x8A00, s8;
	s5 =	sadd.s32 $0x9A00, s8;
	s6 =	sadd.s32 $0xAA00, s8  }
0xb: {  	v0 =	vimm.s32 $0x0;
	v1 =	vimm.f32 $0.0e+00;
	s7 =	sadd.s32 $0xBA00, s8;
	s8 =	smax.u32 s9, $0x1;
	s9 =	simm.s32 $0x2  }
.LBB2_1:
0xc: {  	[tilespmem:s2], [sflag:$0x2] =	stream.linear.gather [hbm4b:s3+s2], $0x2000, $0x38;
	[tilespmem:$0x3000] =	vst v63  }
0xd: {  	_ =	swait.ge [sflag:s9], $0x2000  }
0xe: {  	[sflag:s9] =	ssyncset.done $0x0  }
0xf: {  	s16 =	simm.s32 $0x1100;
	s17 =	simm.s32 $0x200;
	[sflag:s9] =	ssyncadd.s32 $0xFFFFE000  }
.LBB2_2:
0x10: {  	v2 =	vld [tilespmem:s17+$0xFFFFFE00]  }
0x11: {  	v3 =	vld [tilespmem:s17+$0xFFFFFE80]  }
0x12: {  	v4 =	vld [tilespmem:s17+$0xFFFFFF00]  }
0x13: {  	v5 =	vld [tilespmem:s17+$0xFFFFFF80]  }
0x14: {  	v6 =	vld [tilespmem:s17+$0x0]  }
0x15: {  	v7 =	vld [tilespmem:s17+$0x80]  }
0x16: {  	v8 =	vld [tilespmem:s17+$0x100];
	v9 =	vmax.f32 v2, v3  }
0x17: {  	v10 =	vld [tilespmem:s17+$0x180];
	v9 =	vmax.f32 v9, v4  }
0x18: {  	v9 =	vmax.f32 v9, v5  }
0x19: {  	v9 =	vmax.f32 v9, v6  }
0x1a: {  	v9 =	vmax.f32 v9, v7  }
0x1b: {  	v9 =	vmax.f32 v9, v8  }
0x1c: {  	v9 =	vmax.f32 v9, v10  }
0x1d: {  	vm0 =	veq.f32 v10, v9  }
0x1e: {  	vm11 =	veq.f32 v8, v9;
	v11 =	vsel vm0, $0x7, v0  }
0x1f: {  	vm12 =	veq.f32 v7, v9;
	v11 =	vsel vm11, $0x6, v11  }
0x20: {  	vm13 =	veq.f32 v6, v9;
	v11 =	vsel vm12, $0x5, v11  }
0x21: {  	vm14 =	veq.f32 v5, v9;
	v11 =	vsel vm13, $0x4, v11  }
0x22: {  	vm15 =	veq.f32 v4, v9;
	v12 =	vand.u32 $0x7FFFFFFF, v9;
	v11 =	vsel vm14, $0x3, v11  }
0x23: {  	vm4 =	veq.f32 v3, v9;
	v12 =	vsub.f32 $0.0e+00, v12;
	v11 =	vsel vm15, $0x2, v11  }
0x24: {  	vm1 =	vne.f32 v2, v9;
	v11 =	vsel vm4, $0x1, v11  }
0x25: {  	vm0 =	vmand vm1, vm4;
	v12 =	vmul.f32 $1.442695020e+00, v12;
	v11 =	vnsel vm1, $0x0, v11  }
0x26: {  	v3 =	vsel vm0, $0xFF800000, v3;
	vm2 =	veq.s32 v11, $0x0  }
0x27: {  	(erf) = vpow2.f32 v12;
	vm5 =	veq.s32 v11, $0x2;
	v2 =	vsel vm2, $0xFF800000, v2  }
0x28: {  	vm6 =	veq.s32 v11, $0x3;
	v4 =	vsel vm5, $0xFF800000, v4;
	v38 =	vmax.f32 v2, v3  }
0x29: {  	vm7 =	veq.s32 v11, $0x4;
	v5 =	vsel vm6, $0xFF800000, v5;
	v12 =	vmax.f32 v38, v4  }
0x2a: {  	vm8 =	veq.s32 v11, $0x5;
	v6 =	vsel vm7, $0xFF800000, v6;
	v12 =	vmax.f32 v12, v5  }
0x2b: {  	vm9 =	veq.s32 v11, $0x6;
	v7 =	vsel vm8, $0xFF800000, v7;
	v12 =	vmax.f32 v12, v6  }
0x2c: {  	vm10 =	veq.s32 v11, $0x7;
	v8 =	vsel vm9, $0xFF800000, v8;
	v12 =	vmax.f32 v12, v7  }
0x2d: {  	v10 =	vsel vm10, $0xFF800000, v10;
	v12 =	vmax.f32 v12, v8  }
0x2e: {  	v12 =	vmax.f32 v12, v10  }
0x2f: {  	v13 =	vand.u32 $0x7FFFFFFF, v12  }
0x30: {  	v14 =	vpop (erf);
	v13 =	vsub.f32 $0.0e+00, v13  }
0x31: {  	v15 =	vadd.f32 $1.000000000e+00, v14  }
0x32: {  	v13 =	vmul.f32 $1.442695020e+00, v13  }
0x33: {  	(erf) = vrcp.f32 v15  }
0x34: {  	(erf) = vpow2.f32 v13;
	_ =	sdelay $0x7  }
0x35: {  	v39 =	vpop (erf)  }
0x36: {  	v40 =	vpop (erf)  }
0x37: {  	v16 =	vadd.f32 $1.000000000e+00, v40;
	_ =	sdelay $0x1  }
0x38: {  	(erf) = vrcp.f32 v16;
	_ =	sdelay $0x8  }
0x39: {  	v16 =	vpop (erf)  }
0x3a: {  	v14 =	vmul.f32 v39, v14;
	v15 =	vmul.f32 v16, v40  }
0x3b: {  	vm11 =	vge.f32 v9, $0.0e+00;
	vm12 =	vge.f32 v12, $0.0e+00  }
0x3c: {  	v9 =	vsel vm11, v39, v14;
	v41 =	vsel vm12, v16, v15  }
0x3d: {  	v14 =	vadd.f32 v41, v9;
	_ =	sdelay $0x1  }
0x3e: {  	(erf) = vrcp.f32 v14;
	_ =	sdelay $0x1  }
0x3f: {  	vm13 =	veq.f32 v10, v12  }
0x40: {  	vm14 =	veq.f32 v8, v12;
	v42 =	vsel vm13, $0x40E00000, v1  }
0x41: {  	vm15 =	veq.f32 v7, v12;
	v43 =	vsel vm14, $0x40C00000, v42  }
0x42: {  	vm4 =	veq.f32 v6, v12;
	v7 =	vsel vm15, $0x40A00000, v43  }
0x43: {  	vm5 =	veq.f32 v5, v12;
	v7 =	vsel vm4, $0x40800000, v7  }
0x44: {  	vm6 =	veq.f32 v4, v12;
	v47 =	vsel vm5, $0x40400000, v7  }
0x45: {  	vm7 =	veq.f32 v3, v12;
	v3 =	vcvt.s32.f32 v11;
	v48 =	vsel vm6, $0x40000000, v47  }
0x46: {  	s18 =	sshra.s32 s16, $0x2;
	vm8 =	veq.f32 v2, v12;
	v2 =	vsel vm7, $0x3F800000, v48;
	v44 =	vpop (erf)  }
0x47: {  	[tilespmem:s18+$0x23C0] =	vst v3;
	v2 =	vsel vm8, $0x0, v2;
	v45 =	vmul.f32 v44, v9  }
0x48: {  	[tilespmem:s18+$0x27C0] =	vst v2;
	v46 =	vmul.f32 v44, v41  }
0x49: {  	[tilespmem:s18+$0x1BC0] =	vst v45  }
0x4a: {  	[tilespmem:s18+$0x1FC0] =	vst v46  }
0x4b: {  	v2 =	vld [tilespmem:s17+$0xFFFFFE10]  }
0x4c: {  	v3 =	vld [tilespmem:s17+$0xFFFFFE90]  }
0x4d: {  	v4 =	vld [tilespmem:s17+$0xFFFFFF10]  }
0x4e: {  	v49 =	vld [tilespmem:s17+$0xFFFFFF90]  }
0x4f: {  	v50 =	vld [tilespmem:s17+$0x10]  }
0x50: {  	v51 =	vld [tilespmem:s17+$0x90]  }
0x51: {  	v52 =	vld [tilespmem:s17+$0x110];
	v53 =	vmax.f32 v2, v3  }
0x52: {  	v54 =	vld [tilespmem:s17+$0x190];
	v9 =	vmax.f32 v53, v4  }
0x53: {  	v9 =	vmax.f32 v9, v49  }
0x54: {  	v9 =	vmax.f32 v9, v50  }
0x55: {  	v9 =	vmax.f32 v9, v51  }
0x56: {  	v9 =	vmax.f32 v9, v52  }
0x57: {  	v9 =	vmax.f32 v9, v54  }
0x58: {  	vm9 =	veq.f32 v54, v9  }
0x59: {  	vm10 =	veq.f32 v52, v9;
	v55 =	vsel vm9, $0x7, v0  }
0x5a: {  	vm11 =	veq.f32 v51, v9;
	v11 =	vsel vm10, $0x6, v55  }
0x5b: {  	vm12 =	veq.f32 v50, v9;
	v11 =	vsel vm11, $0x5, v11  }
0x5c: {  	vm13 =	veq.f32 v49, v9;
	v11 =	vsel vm12, $0x4, v11  }
0x5d: {  	vm14 =	veq.f32 v4, v9;
	v56 =	vand.u32 $0x7FFFFFFF, v9;
	v11 =	vsel vm13, $0x3, v11  }
0x5e: {  	vm15 =	veq.f32 v3, v9;
	v12 =	vsub.f32 $0.0e+00, v56;
	v11 =	vsel vm14, $0x2, v11  }
0x5f: {  	vm4 =	vne.f32 v2, v9;
	v11 =	vsel vm15, $0x1, v11  }
0x60: {  	vm0 =	vmand vm4, vm15;
	v12 =	vmul.f32 $1.442695020e+00, v12;
	v11 =	vnsel vm4, $0x0, v11  }
0x61: {  	v3 =	vsel vm0, $0xFF800000, v3;
	vm5 =	veq.s32 v11, $0x0  }
0x62: {  	(erf) = vpow2.f32 v12;
	vm6 =	veq.s32 v11, $0x2;
	v2 =	vsel vm5, $0xFF800000, v2  }
0x63: {  	vm7 =	veq.s32 v11, $0x3;
	v4 =	vsel vm6, $0xFF800000, v4;
	v57 =	vmax.f32 v2, v3  }
0x64: {  	vm8 =	veq.s32 v11, $0x4;
	v5 =	vsel vm7, $0xFF800000, v49;
	v12 =	vmax.f32 v57, v4  }
0x65: {  	vm9 =	veq.s32 v11, $0x5;
	v6 =	vsel vm8, $0xFF800000, v50;
	v12 =	vmax.f32 v12, v5  }
0x66: {  	vm10 =	veq.s32 v11, $0x6;
	v7 =	vsel vm9, $0xFF800000, v51;
	v12 =	vmax.f32 v12, v6  }
0x67: {  	vm11 =	veq.s32 v11, $0x7;
	v8 =	vsel vm10, $0xFF800000, v52;
	v12 =	vmax.f32 v12, v7  }
0x68: {  	v10 =	vsel vm11, $0xFF800000, v54;
	v12 =	vmax.f32 v12, v8  }
0x69: {  	v12 =	vmax.f32 v12, v10  }
0x6a: {  	v58 =	vand.u32 $0x7FFFFFFF, v12  }
0x6b: {  	v59 =	vpop (erf);
	v13 =	vsub.f32 $0.0e+00, v58  }
0x6c: {  	v60 =	vadd.f32 $1.000000000e+00, v59  }
0x6d: {  	v13 =	vmul.f32 $1.442695020e+00, v13  }
0x6e: {  	(erf) = vrcp.f32 v60  }
0x6f: {  	(erf) = vpow2.f32 v13;
	_ =	sdelay $0x7  }
0x70: {  	v61 =	vpop (erf)  }
0x71: {  	v62 =	vpop (erf)  }
0x72: {  	v63 =	vadd.f32 $1.000000000e+00, v62;
	_ =	sdelay $0x1  }
0x73: {  	(erf) = vrcp.f32 v63;
	_ =	sdelay $0x8  }
0x74: {  	v16 =	vpop (erf)  }
0x75: {  	v14 =	vmul.f32 v61, v59;
	v15 =	vmul.f32 v16, v62  }
0x76: {  	vm12 =	vge.f32 v9, $0.0e+00;
	vm13 =	vge.f32 v12, $0.0e+00  }
0x77: {  	v9 =	vsel vm12, v61, v14;
	v17 =	vsel vm13, v16, v15  }
0x78: {  	v14 =	vadd.f32 v17, v9;
	_ =	sdelay $0x1  }
0x79: {  	(erf) = vrcp.f32 v14;
	_ =	sdelay $0x1  }
0x7a: {  	vm14 =	veq.f32 v10, v12  }
0x7b: {  	vm15 =	veq.f32 v8, v12;
	v18 =	vsel vm14, $0x40E00000, v1  }
0x7c: {  	vm4 =	veq.f32 v7, v12;
	v19 =	vsel vm15, $0x40C00000, v18  }
0x7d: {  	vm5 =	veq.f32 v6, v12;
	v7 =	vsel vm4, $0x40A00000, v19  }
0x7e: {  	vm6 =	veq.f32 v5, v12;
	v7 =	vsel vm5, $0x40800000, v7  }
0x7f: {  	vm7 =	veq.f32 v4, v12;
	v23 =	vsel vm6, $0x40400000, v7  }
0x80: {  	vm8 =	veq.f32 v3, v12;
	v3 =	vcvt.s32.f32 v11;
	v24 =	vsel vm7, $0x40000000, v23  }
0x81: {  	vm9 =	veq.f32 v2, v12;
	v2 =	vsel vm8, $0x3F800000, v24;
	v20 =	vpop (erf)  }
0x82: {  	[tilespmem:s18+$0x23D0] =	vst v3;
	v2 =	vsel vm9, $0x0, v2;
	v21 =	vmul.f32 v20, v9  }
0x83: {  	[tilespmem:s18+$0x27D0] =	vst v2;
	v22 =	vmul.f32 v20, v17  }
0x84: {  	[tilespmem:s18+$0x1BD0] =	vst v21  }
0x85: {  	[tilespmem:s18+$0x1FD0] =	vst v22  }
0x86: {  	v2 =	vld [tilespmem:s17+$0xFFFFFE20]  }
0x87: {  	v3 =	vld [tilespmem:s17+$0xFFFFFEA0]  }
0x88: {  	v4 =	vld [tilespmem:s17+$0xFFFFFF20]  }
0x89: {  	v25 =	vld [tilespmem:s17+$0xFFFFFFA0]  }
0x8a: {  	v26 =	vld [tilespmem:s17+$0x20]  }
0x8b: {  	v27 =	vld [tilespmem:s17+$0xA0]  }
0x8c: {  	v28 =	vld [tilespmem:s17+$0x120];
	v29 =	vmax.f32 v2, v3  }
0x8d: {  	v30 =	vld [tilespmem:s17+$0x1A0];
	v9 =	vmax.f32 v29, v4  }
0x8e: {  	v9 =	vmax.f32 v9, v25  }
0x8f: {  	v9 =	vmax.f32 v9, v26  }
0x90: {  	v9 =	vmax.f32 v9, v27  }
0x91: {  	v9 =	vmax.f32 v9, v28  }
0x92: {  	v9 =	vmax.f32 v9, v30  }
0x93: {  	vm10 =	veq.f32 v30, v9  }
0x94: {  	vm11 =	veq.f32 v28, v9;
	v31 =	vsel vm10, $0x7, v0  }
0x95: {  	vm12 =	veq.f32 v27, v9;
	v11 =	vsel vm11, $0x6, v31  }
0x96: {  	vm13 =	veq.f32 v26, v9;
	v11 =	vsel vm12, $0x5, v11  }
0x97: {  	vm14 =	veq.f32 v25, v9;
	v11 =	vsel vm13, $0x4, v11  }
0x98: {  	vm15 =	veq.f32 v4, v9;
	v32 =	vand.u32 $0x7FFFFFFF, v9;
	v11 =	vsel vm14, $0x3, v11  }
0x99: {  	vm4 =	veq.f32 v3, v9;
	v12 =	vsub.f32 $0.0e+00, v32;
	v11 =	vsel vm15, $0x2, v11  }
0x9a: {  	vm5 =	vne.f32 v2, v9;
	v11 =	vsel vm4, $0x1, v11  }
0x9b: {  	vm0 =	vmand vm5, vm4;
	v12 =	vmul.f32 $1.442695020e+00, v12;
	v11 =	vnsel vm5, $0x0, v11  }
0x9c: {  	v3 =	vsel vm0, $0xFF800000, v3;
	vm6 =	veq.s32 v11, $0x0  }
0x9d: {  	(erf) = vpow2.f32 v12;
	vm7 =	veq.s32 v11, $0x2;
	v2 =	vsel vm6, $0xFF800000, v2  }
0x9e: {  	vm8 =	veq.s32 v11, $0x3;
	v4 =	vsel vm7, $0xFF800000, v4;
	v33 =	vmax.f32 v2, v3  }
0x9f: {  	vm9 =	veq.s32 v11, $0x4;
	v5 =	vsel vm8, $0xFF800000, v25;
	v12 =	vmax.f32 v33, v4  }
0xa0: {  	vm10 =	veq.s32 v11, $0x5;
	v6 =	vsel vm9, $0xFF800000, v26;
	v12 =	vmax.f32 v12, v5  }
0xa1: {  	vm11 =	veq.s32 v11, $0x6;
	v7 =	vsel vm10, $0xFF800000, v27;
	v12 =	vmax.f32 v12, v6  }
0xa2: {  	vm12 =	veq.s32 v11, $0x7;
	v8 =	vsel vm11, $0xFF800000, v28;
	v12 =	vmax.f32 v12, v7  }
0xa3: {  	v10 =	vsel vm12, $0xFF800000, v30;
	v12 =	vmax.f32 v12, v8  }
0xa4: {  	v12 =	vmax.f32 v12, v10  }
0xa5: {  	v34 =	vand.u32 $0x7FFFFFFF, v12  }
0xa6: {  	v35 =	vpop (erf);
	v13 =	vsub.f32 $0.0e+00, v34  }
0xa7: {  	v36 =	vadd.f32 $1.000000000e+00, v35  }
0xa8: {  	v13 =	vmul.f32 $1.442695020e+00, v13  }
0xa9: {  	(erf) = vrcp.f32 v36  }
0xaa: {  	(erf) = vpow2.f32 v13;
	_ =	sdelay $0x7  }
0xab: {  	v37 =	vpop (erf)  }
0xac: {  	v38 =	vpop (erf)  }
0xad: {  	v39 =	vadd.f32 $1.000000000e+00, v38;
	_ =	sdelay $0x1  }
0xae: {  	(erf) = vrcp.f32 v39;
	_ =	sdelay $0x8  }
0xaf: {  	v16 =	vpop (erf)  }
0xb0: {  	v14 =	vmul.f32 v37, v35;
	v15 =	vmul.f32 v16, v38  }
0xb1: {  	vm13 =	vge.f32 v9, $0.0e+00;
	vm14 =	vge.f32 v12, $0.0e+00  }
0xb2: {  	v9 =	vsel vm13, v37, v14;
	v40 =	vsel vm14, v16, v15  }
0xb3: {  	v14 =	vadd.f32 v40, v9;
	_ =	sdelay $0x1  }
0xb4: {  	(erf) = vrcp.f32 v14;
	_ =	sdelay $0x1  }
0xb5: {  	vm15 =	veq.f32 v10, v12  }
0xb6: {  	vm4 =	veq.f32 v8, v12;
	v41 =	vsel vm15, $0x40E00000, v1  }
0xb7: {  	vm5 =	veq.f32 v7, v12;
	v42 =	vsel vm4, $0x40C00000, v41  }
0xb8: {  	vm6 =	veq.f32 v6, v12;
	v7 =	vsel vm5, $0x40A00000, v42  }
0xb9: {  	vm7 =	veq.f32 v5, v12;
	v7 =	vsel vm6, $0x40800000, v7  }
0xba: {  	vm8 =	veq.f32 v4, v12;
	v46 =	vsel vm7, $0x40400000, v7  }
0xbb: {  	vm9 =	veq.f32 v3, v12;
	v3 =	vcvt.s32.f32 v11;
	v47 =	vsel vm8, $0x40000000, v46  }
0xbc: {  	vm10 =	veq.f32 v2, v12;
	v2 =	vsel vm9, $0x3F800000, v47;
	v43 =	vpop (erf)  }
0xbd: {  	[tilespmem:s18+$0x23E0] =	vst v3;
	v2 =	vsel vm10, $0x0, v2;
	v44 =	vmul.f32 v43, v9  }
0xbe: {  	[tilespmem:s18+$0x27E0] =	vst v2;
	v45 =	vmul.f32 v43, v40  }
0xbf: {  	[tilespmem:s18+$0x1BE0] =	vst v44  }
0xc0: {  	[tilespmem:s18+$0x1FE0] =	vst v45  }
0xc1: {  	v2 =	vld [tilespmem:s17+$0xFFFFFE30]  }
0xc2: {  	v3 =	vld [tilespmem:s17+$0xFFFFFEB0]  }
0xc3: {  	v4 =	vld [tilespmem:s17+$0xFFFFFF30]  }
0xc4: {  	v48 =	vld [tilespmem:s17+$0xFFFFFFB0]  }
0xc5: {  	v49 =	vld [tilespmem:s17+$0x30]  }
0xc6: {  	v50 =	vld [tilespmem:s17+$0xB0]  }
0xc7: {  	v51 =	vld [tilespmem:s17+$0x130];
	v52 =	vmax.f32 v2, v3  }
0xc8: {  	v53 =	vld [tilespmem:s17+$0x1B0];
	v9 =	vmax.f32 v52, v4  }
0xc9: {  	v9 =	vmax.f32 v9, v48  }
0xca: {  	v9 =	vmax.f32 v9, v49  }
0xcb: {  	v9 =	vmax.f32 v9, v50  }
0xcc: {  	v9 =	vmax.f32 v9, v51  }
0xcd: {  	v9 =	vmax.f32 v9, v53  }
0xce: {  	vm11 =	veq.f32 v53, v9  }
0xcf: {  	vm12 =	veq.f32 v51, v9;
	v54 =	vsel vm11, $0x7, v0  }
0xd0: {  	vm13 =	veq.f32 v50, v9;
	v11 =	vsel vm12, $0x6, v54  }
0xd1: {  	vm14 =	veq.f32 v49, v9;
	v11 =	vsel vm13, $0x5, v11  }
0xd2: {  	vm15 =	veq.f32 v48, v9;
	v11 =	vsel vm14, $0x4, v11  }
0xd3: {  	vm4 =	veq.f32 v4, v9;
	v55 =	vand.u32 $0x7FFFFFFF, v9;
	v11 =	vsel vm15, $0x3, v11  }
0xd4: {  	vm5 =	veq.f32 v3, v9;
	v12 =	vsub.f32 $0.0e+00, v55;
	v11 =	vsel vm4, $0x2, v11  }
0xd5: {  	vm6 =	vne.f32 v2, v9;
	v11 =	vsel vm5, $0x1, v11  }
0xd6: {  	vm0 =	vmand vm6, vm5;
	v12 =	vmul.f32 $1.442695020e+00, v12;
	v11 =	vnsel vm6, $0x0, v11  }
0xd7: {  	v3 =	vsel vm0, $0xFF800000, v3;
	vm7 =	veq.s32 v11, $0x0  }
0xd8: {  	(erf) = vpow2.f32 v12;
	vm8 =	veq.s32 v11, $0x2;
	v2 =	vsel vm7, $0xFF800000, v2  }
0xd9: {  	vm9 =	veq.s32 v11, $0x3;
	v4 =	vsel vm8, $0xFF800000, v4;
	v56 =	vmax.f32 v2, v3  }
0xda: {  	vm10 =	veq.s32 v11, $0x4;
	v5 =	vsel vm9, $0xFF800000, v48;
	v12 =	vmax.f32 v56, v4  }
0xdb: {  	vm11 =	veq.s32 v11, $0x5;
	v6 =	vsel vm10, $0xFF800000, v49;
	v12 =	vmax.f32 v12, v5  }
0xdc: {  	vm12 =	veq.s32 v11, $0x6;
	v7 =	vsel vm11, $0xFF800000, v50;
	v12 =	vmax.f32 v12, v6  }
0xdd: {  	vm13 =	veq.s32 v11, $0x7;
	v8 =	vsel vm12, $0xFF800000, v51;
	v12 =	vmax.f32 v12, v7  }
0xde: {  	v10 =	vsel vm13, $0xFF800000, v53;
	v12 =	vmax.f32 v12, v8  }
0xdf: {  	v12 =	vmax.f32 v12, v10  }
0xe0: {  	v57 =	vand.u32 $0x7FFFFFFF, v12  }
0xe1: {  	v58 =	vpop (erf);
	v13 =	vsub.f32 $0.0e+00, v57  }
0xe2: {  	v59 =	vadd.f32 $1.000000000e+00, v58  }
0xe3: {  	v13 =	vmul.f32 $1.442695020e+00, v13  }
0xe4: {  	(erf) = vrcp.f32 v59  }
0xe5: {  	(erf) = vpow2.f32 v13;
	_ =	sdelay $0x7  }
0xe6: {  	v60 =	vpop (erf)  }
0xe7: {  	v61 =	vpop (erf)  }
0xe8: {  	v62 =	vadd.f32 $1.000000000e+00, v61;
	_ =	sdelay $0x1  }
0xe9: {  	(erf) = vrcp.f32 v62;
	_ =	sdelay $0x8  }
0xea: {  	v16 =	vpop (erf)  }
0xeb: {  	v14 =	vmul.f32 v60, v58;
	v15 =	vmul.f32 v16, v61  }
0xec: {  	vm14 =	vge.f32 v9, $0.0e+00;
	vm15 =	vge.f32 v12, $0.0e+00  }
0xed: {  	v9 =	vsel vm14, v60, v14;
	v63 =	vsel vm15, v16, v15  }
0xee: {  	v14 =	vadd.f32 v63, v9;
	_ =	sdelay $0x1  }
0xef: {  	(erf) = vrcp.f32 v14;
	_ =	sdelay $0x1  }
0xf0: {  	vm4 =	veq.f32 v10, v12  }
0xf1: {  	vm5 =	veq.f32 v8, v12;
	v16 =	vsel vm4, $0x40E00000, v1  }
0xf2: {  	vm6 =	veq.f32 v7, v12;
	v17 =	vsel vm5, $0x40C00000, v16  }
0xf3: {  	vm7 =	veq.f32 v6, v12;
	v7 =	vsel vm6, $0x40A00000, v17  }
0xf4: {  	vm8 =	veq.f32 v5, v12;
	v7 =	vsel vm7, $0x40800000, v7  }
0xf5: {  	vm9 =	veq.f32 v4, v12;
	v21 =	vsel vm8, $0x40400000, v7  }
0xf6: {  	vm10 =	veq.f32 v3, v12;
	v3 =	vcvt.s32.f32 v11;
	v22 =	vsel vm9, $0x40000000, v21  }
0xf7: {  	vm11 =	veq.f32 v2, v12;
	v2 =	vsel vm10, $0x3F800000, v22;
	v18 =	vpop (erf)  }
0xf8: {  	[tilespmem:s18+$0x23F0] =	vst v3;
	v2 =	vsel vm11, $0x0, v2;
	v19 =	vmul.f32 v18, v9  }
0xf9: {  	[tilespmem:s18+$0x27F0] =	vst v2;
	v20 =	vmul.f32 v18, v63  }
0xfa: {  	[tilespmem:s18+$0x1BF0] =	vst v19  }
0xfb: {  	[tilespmem:s18+$0x1FF0] =	vst v20  }
0xfc: {  	v2 =	vld [tilespmem:s17+$0xFFFFFE40]  }
0xfd: {  	v3 =	vld [tilespmem:s17+$0xFFFFFEC0]  }
0xfe: {  	v4 =	vld [tilespmem:s17+$0xFFFFFF40]  }
0xff: {  	v23 =	vld [tilespmem:s17+$0xFFFFFFC0]  }
0x100: {  	v24 =	vld [tilespmem:s17+$0x40]  }
0x101: {  	v25 =	vld [tilespmem:s17+$0xC0]  }
0x102: {  	v26 =	vld [tilespmem:s17+$0x140];
	v27 =	vmax.f32 v2, v3  }
0x103: {  	v28 =	vld [tilespmem:s17+$0x1C0];
	v9 =	vmax.f32 v27, v4  }
0x104: {  	v9 =	vmax.f32 v9, v23  }
0x105: {  	v9 =	vmax.f32 v9, v24  }
0x106: {  	v9 =	vmax.f32 v9, v25  }
0x107: {  	v9 =	vmax.f32 v9, v26  }
0x108: {  	v9 =	vmax.f32 v9, v28  }
0x109: {  	vm12 =	veq.f32 v28, v9  }
0x10a: {  	vm13 =	veq.f32 v26, v9;
	v29 =	vsel vm12, $0x7, v0  }
0x10b: {  	vm14 =	veq.f32 v25, v9;
	v11 =	vsel vm13, $0x6, v29  }
0x10c: {  	vm15 =	veq.f32 v24, v9;
	v11 =	vsel vm14, $0x5, v11  }
0x10d: {  	vm4 =	veq.f32 v23, v9;
	v11 =	vsel vm15, $0x4, v11  }
0x10e: {  	vm5 =	veq.f32 v4, v9;
	v30 =	vand.u32 $0x7FFFFFFF, v9;
	v11 =	vsel vm4, $0x3, v11  }
0x10f: {  	vm6 =	veq.f32 v3, v9;
	v12 =	vsub.f32 $0.0e+00, v30;
	v11 =	vsel vm5, $0x2, v11  }
0x110: {  	vm7 =	vne.f32 v2, v9;
	v11 =	vsel vm6, $0x1, v11  }
0x111: {  	vm0 =	vmand vm7, vm6;
	v12 =	vmul.f32 $1.442695020e+00, v12;
	v11 =	vnsel vm7, $0x0, v11  }
0x112: {  	v3 =	vsel vm0, $0xFF800000, v3;
	vm8 =	veq.s32 v11, $0x0  }
0x113: {  	(erf) = vpow2.f32 v12;
	vm9 =	veq.s32 v11, $0x2;
	v2 =	vsel vm8, $0xFF800000, v2  }
0x114: {  	vm10 =	veq.s32 v11, $0x3;
	v4 =	vsel vm9, $0xFF800000, v4;
	v31 =	vmax.f32 v2, v3  }
0x115: {  	vm11 =	veq.s32 v11, $0x4;
	v5 =	vsel vm10, $0xFF800000, v23;
	v12 =	vmax.f32 v31, v4  }
0x116: {  	vm12 =	veq.s32 v11, $0x5;
	v6 =	vsel vm11, $0xFF800000, v24;
	v12 =	vmax.f32 v12, v5  }
0x117: {  	vm13 =	veq.s32 v11, $0x6;
	v7 =	vsel vm12, $0xFF800000, v25;
	v12 =	vmax.f32 v12, v6  }
0x118: {  	vm14 =	veq.s32 v11, $0x7;
	v8 =	vsel vm13, $0xFF800000, v26;
	v12 =	vmax.f32 v12, v7  }
0x119: {  	v10 =	vsel vm14, $0xFF800000, v28;
	v12 =	vmax.f32 v12, v8  }
0x11a: {  	v12 =	vmax.f32 v12, v10  }
0x11b: {  	v32 =	vand.u32 $0x7FFFFFFF, v12  }
0x11c: {  	v33 =	vpop (erf);
	v13 =	vsub.f32 $0.0e+00, v32  }
0x11d: {  	v34 =	vadd.f32 $1.000000000e+00, v33  }
0x11e: {  	v13 =	vmul.f32 $1.442695020e+00, v13  }
0x11f: {  	(erf) = vrcp.f32 v34  }
0x120: {  	(erf) = vpow2.f32 v13;
	_ =	sdelay $0x7  }
0x121: {  	v35 =	vpop (erf)  }
0x122: {  	v36 =	vpop (erf)  }
0x123: {  	v37 =	vadd.f32 $1.000000000e+00, v36;
	_ =	sdelay $0x1  }
0x124: {  	(erf) = vrcp.f32 v37;
	_ =	sdelay $0x8  }
0x125: {  	v16 =	vpop (erf)  }
0x126: {  	v14 =	vmul.f32 v35, v33;
	v15 =	vmul.f32 v16, v36  }
0x127: {  	vm15 =	vge.f32 v9, $0.0e+00;
	vm4 =	vge.f32 v12, $0.0e+00  }
0x128: {  	v9 =	vsel vm15, v35, v14;
	v38 =	vsel vm4, v16, v15  }
0x129: {  	v14 =	vadd.f32 v38, v9;
	_ =	sdelay $0x1  }
0x12a: {  	(erf) = vrcp.f32 v14;
	_ =	sdelay $0x1  }
0x12b: {  	vm5 =	veq.f32 v10, v12  }
0x12c: {  	vm6 =	veq.f32 v8, v12;
	v39 =	vsel vm5, $0x40E00000, v1  }
0x12d: {  	vm7 =	veq.f32 v7, v12;
	v40 =	vsel vm6, $0x40C00000, v39  }
0x12e: {  	vm8 =	veq.f32 v6, v12;
	v7 =	vsel vm7, $0x40A00000, v40  }
0x12f: {  	vm9 =	veq.f32 v5, v12;
	v7 =	vsel vm8, $0x40800000, v7  }
0x130: {  	vm10 =	veq.f32 v4, v12;
	v44 =	vsel vm9, $0x40400000, v7  }
0x131: {  	vm11 =	veq.f32 v3, v12;
	v3 =	vcvt.s32.f32 v11;
	v45 =	vsel vm10, $0x40000000, v44  }
0x132: {  	vm12 =	veq.f32 v2, v12;
	v2 =	vsel vm11, $0x3F800000, v45;
	v41 =	vpop (erf)  }
0x133: {  	[tilespmem:s18+$0x2400] =	vst v3;
	v2 =	vsel vm12, $0x0, v2;
	v42 =	vmul.f32 v41, v9  }
0x134: {  	[tilespmem:s18+$0x2800] =	vst v2;
	v43 =	vmul.f32 v41, v38  }
0x135: {  	[tilespmem:s18+$0x1C00] =	vst v42  }
0x136: {  	[tilespmem:s18+$0x2000] =	vst v43  }
0x137: {  	v2 =	vld [tilespmem:s17+$0xFFFFFE50]  }
0x138: {  	v3 =	vld [tilespmem:s17+$0xFFFFFED0]  }
0x139: {  	v4 =	vld [tilespmem:s17+$0xFFFFFF50]  }
0x13a: {  	v46 =	vld [tilespmem:s17+$0xFFFFFFD0]  }
0x13b: {  	v47 =	vld [tilespmem:s17+$0x50]  }
0x13c: {  	v48 =	vld [tilespmem:s17+$0xD0]  }
0x13d: {  	v49 =	vld [tilespmem:s17+$0x150];
	v50 =	vmax.f32 v2, v3  }
0x13e: {  	v51 =	vld [tilespmem:s17+$0x1D0];
	v9 =	vmax.f32 v50, v4  }
0x13f: {  	v9 =	vmax.f32 v9, v46  }
0x140: {  	v9 =	vmax.f32 v9, v47  }
0x141: {  	v9 =	vmax.f32 v9, v48  }
0x142: {  	v9 =	vmax.f32 v9, v49  }
0x143: {  	v9 =	vmax.f32 v9, v51  }
0x144: {  	vm13 =	veq.f32 v51, v9  }
0x145: {  	vm14 =	veq.f32 v49, v9;
	v52 =	vsel vm13, $0x7, v0  }
0x146: {  	vm15 =	veq.f32 v48, v9;
	v11 =	vsel vm14, $0x6, v52  }
0x147: {  	vm4 =	veq.f32 v47, v9;
	v11 =	vsel vm15, $0x5, v11  }
0x148: {  	vm5 =	veq.f32 v46, v9;
	v11 =	vsel vm4, $0x4, v11  }
0x149: {  	vm6 =	veq.f32 v4, v9;
	v53 =	vand.u32 $0x7FFFFFFF, v9;
	v11 =	vsel vm5, $0x3, v11  }
0x14a: {  	vm7 =	veq.f32 v3, v9;
	v12 =	vsub.f32 $0.0e+00, v53;
	v11 =	vsel vm6, $0x2, v11  }
0x14b: {  	vm8 =	vne.f32 v2, v9;
	v11 =	vsel vm7, $0x1, v11  }
0x14c: {  	vm0 =	vmand vm8, vm7;
	v12 =	vmul.f32 $1.442695020e+00, v12;
	v11 =	vnsel vm8, $0x0, v11  }
0x14d: {  	v3 =	vsel vm0, $0xFF800000, v3;
	vm9 =	veq.s32 v11, $0x0  }
0x14e: {  	(erf) = vpow2.f32 v12;
	vm10 =	veq.s32 v11, $0x2;
	v2 =	vsel vm9, $0xFF800000, v2  }
0x14f: {  	vm11 =	veq.s32 v11, $0x3;
	v4 =	vsel vm10, $0xFF800000, v4;
	v54 =	vmax.f32 v2, v3  }
0x150: {  	vm12 =	veq.s32 v11, $0x4;
	v5 =	vsel vm11, $0xFF800000, v46;
	v12 =	vmax.f32 v54, v4  }
0x151: {  	vm13 =	veq.s32 v11, $0x5;
	v6 =	vsel vm12, $0xFF800000, v47;
	v12 =	vmax.f32 v12, v5  }
0x152: {  	vm14 =	veq.s32 v11, $0x6;
	v7 =	vsel vm13, $0xFF800000, v48;
	v12 =	vmax.f32 v12, v6  }
0x153: {  	vm15 =	veq.s32 v11, $0x7;
	v8 =	vsel vm14, $0xFF800000, v49;
	v12 =	vmax.f32 v12, v7  }
0x154: {  	v10 =	vsel vm15, $0xFF800000, v51;
	v12 =	vmax.f32 v12, v8  }
0x155: {  	v12 =	vmax.f32 v12, v10  }
0x156: {  	v55 =	vand.u32 $0x7FFFFFFF, v12  }
0x157: {  	v56 =	vpop (erf);
	v13 =	vsub.f32 $0.0e+00, v55  }
0x158: {  	v57 =	vadd.f32 $1.000000000e+00, v56  }
0x159: {  	v13 =	vmul.f32 $1.442695020e+00, v13  }
0x15a: {  	(erf) = vrcp.f32 v57  }
0x15b: {  	(erf) = vpow2.f32 v13;
	_ =	sdelay $0x7  }
0x15c: {  	v58 =	vpop (erf)  }
0x15d: {  	v59 =	vpop (erf)  }
0x15e: {  	v60 =	vadd.f32 $1.000000000e+00, v59;
	_ =	sdelay $0x1  }
0x15f: {  	(erf) = vrcp.f32 v60;
	_ =	sdelay $0x8  }
0x160: {  	v16 =	vpop (erf)  }
0x161: {  	v14 =	vmul.f32 v58, v56;
	v15 =	vmul.f32 v16, v59  }
0x162: {  	vm4 =	vge.f32 v9, $0.0e+00;
	vm5 =	vge.f32 v12, $0.0e+00  }
0x163: {  	v9 =	vsel vm4, v58, v14;
	v61 =	vsel vm5, v16, v15  }
0x164: {  	v14 =	vadd.f32 v61, v9;
	_ =	sdelay $0x1  }
0x165: {  	(erf) = vrcp.f32 v14;
	_ =	sdelay $0x1  }
0x166: {  	vm6 =	veq.f32 v10, v12  }
0x167: {  	vm7 =	veq.f32 v8, v12;
	v62 =	vsel vm6, $0x40E00000, v1  }
0x168: {  	vm8 =	veq.f32 v7, v12;
	v63 =	vsel vm7, $0x40C00000, v62  }
0x169: {  	vm9 =	veq.f32 v6, v12;
	v7 =	vsel vm8, $0x40A00000, v63  }
0x16a: {  	vm10 =	veq.f32 v5, v12;
	v7 =	vsel vm9, $0x40800000, v7  }
0x16b: {  	vm11 =	veq.f32 v4, v12;
	v16 =	vsel vm10, $0x40400000, v7  }
0x16c: {  	vm12 =	veq.f32 v3, v12;
	v3 =	vcvt.s32.f32 v11;
	v17 =	vsel vm11, $0x40000000, v16  }
0x16d: {  	vm13 =	veq.f32 v2, v12;
	v2 =	vsel vm12, $0x3F800000, v17;
	v10 =	vpop (erf)  }
0x16e: {  	[tilespmem:s18+$0x2410] =	vst v3;
	v2 =	vsel vm13, $0x0, v2;
	v14 =	vmul.f32 v10, v9  }
0x16f: {  	[tilespmem:s18+$0x2810] =	vst v2;
	v15 =	vmul.f32 v10, v61  }
0x170: {  	[tilespmem:s18+$0x1C10] =	vst v14  }
0x171: {  	[tilespmem:s18+$0x2010] =	vst v15  }
0x172: {  	v2 =	vld [tilespmem:s17+$0xFFFFFE60]  }
0x173: {  	v3 =	vld [tilespmem:s17+$0xFFFFFEE0]  }
0x174: {  	v4 =	vld [tilespmem:s17+$0xFFFFFF60]  }
0x175: {  	v18 =	vld [tilespmem:s17+$0xFFFFFFE0]  }
0x176: {  	v19 =	vld [tilespmem:s17+$0x60]  }
0x177: {  	v20 =	vld [tilespmem:s17+$0xE0]  }
0x178: {  	v21 =	vld [tilespmem:s17+$0x160];
	v22 =	vmax.f32 v2, v3  }
0x179: {  	v23 =	vld [tilespmem:s17+$0x1E0];
	v9 =	vmax.f32 v22, v4  }
0x17a: {  	v9 =	vmax.f32 v9, v18  }
0x17b: {  	v9 =	vmax.f32 v9, v19  }
0x17c: {  	v9 =	vmax.f32 v9, v20  }
0x17d: {  	v9 =	vmax.f32 v9, v21  }
0x17e: {  	v9 =	vmax.f32 v9, v23  }
0x17f: {  	vm14 =	veq.f32 v23, v9  }
0x180: {  	vm15 =	veq.f32 v21, v9;
	v24 =	vsel vm14, $0x7, v0  }
0x181: {  	vm4 =	veq.f32 v20, v9;
	v11 =	vsel vm15, $0x6, v24  }
0x182: {  	vm5 =	veq.f32 v19, v9;
	v11 =	vsel vm4, $0x5, v11  }
0x183: {  	vm6 =	veq.f32 v18, v9;
	v11 =	vsel vm5, $0x4, v11  }
0x184: {  	vm7 =	veq.f32 v4, v9;
	v25 =	vand.u32 $0x7FFFFFFF, v9;
	v11 =	vsel vm6, $0x3, v11  }
0x185: {  	vm8 =	veq.f32 v3, v9;
	v12 =	vsub.f32 $0.0e+00, v25;
	v11 =	vsel vm7, $0x2, v11  }
0x186: {  	vm9 =	vne.f32 v2, v9;
	v11 =	vsel vm8, $0x1, v11  }
0x187: {  	vm0 =	vmand vm9, vm8;
	v12 =	vmul.f32 $1.442695020e+00, v12;
	v11 =	vnsel vm9, $0x0, v11  }
0x188: {  	v3 =	vsel vm0, $0xFF800000, v3;
	vm10 =	veq.s32 v11, $0x0  }
0x189: {  	(erf) = vpow2.f32 v12;
	vm11 =	veq.s32 v11, $0x2;
	v2 =	vsel vm10, $0xFF800000, v2  }
0x18a: {  	vm12 =	veq.s32 v11, $0x3;
	v4 =	vsel vm11, $0xFF800000, v4;
	v26 =	vmax.f32 v2, v3  }
0x18b: {  	vm13 =	veq.s32 v11, $0x4;
	v5 =	vsel vm12, $0xFF800000, v18;
	v12 =	vmax.f32 v26, v4  }
0x18c: {  	vm14 =	veq.s32 v11, $0x5;
	v6 =	vsel vm13, $0xFF800000, v19;
	v12 =	vmax.f32 v12, v5  }
0x18d: {  	vm15 =	veq.s32 v11, $0x6;
	v7 =	vsel vm14, $0xFF800000, v20;
	v12 =	vmax.f32 v12, v6  }
0x18e: {  	vm4 =	veq.s32 v11, $0x7;
	v8 =	vsel vm15, $0xFF800000, v21;
	v12 =	vmax.f32 v12, v7  }
0x18f: {  	v10 =	vsel vm4, $0xFF800000, v23;
	v12 =	vmax.f32 v12, v8  }
0x190: {  	v12 =	vmax.f32 v12, v10  }
0x191: {  	v27 =	vand.u32 $0x7FFFFFFF, v12  }
0x192: {  	v28 =	vpop (erf);
	v13 =	vsub.f32 $0.0e+00, v27  }
0x193: {  	v29 =	vadd.f32 $1.000000000e+00, v28  }
0x194: {  	v13 =	vmul.f32 $1.442695020e+00, v13  }
0x195: {  	(erf) = vrcp.f32 v29  }
0x196: {  	(erf) = vpow2.f32 v13;
	_ =	sdelay $0x7  }
0x197: {  	v30 =	vpop (erf)  }
0x198: {  	v31 =	vpop (erf)  }
0x199: {  	v32 =	vadd.f32 $1.000000000e+00, v31;
	_ =	sdelay $0x1  }
0x19a: {  	(erf) = vrcp.f32 v32;
	_ =	sdelay $0x8  }
0x19b: {  	v16 =	vpop (erf)  }
0x19c: {  	v14 =	vmul.f32 v30, v28;
	v15 =	vmul.f32 v16, v31  }
0x19d: {  	vm5 =	vge.f32 v9, $0.0e+00;
	vm6 =	vge.f32 v12, $0.0e+00  }
0x19e: {  	v9 =	vsel vm5, v30, v14;
	v33 =	vsel vm6, v16, v15  }
0x19f: {  	v14 =	vadd.f32 v33, v9;
	_ =	sdelay $0x1  }
0x1a0: {  	(erf) = vrcp.f32 v14;
	_ =	sdelay $0x1  }
0x1a1: {  	vm7 =	veq.f32 v10, v12  }
0x1a2: {  	vm8 =	veq.f32 v8, v12;
	v34 =	vsel vm7, $0x40E00000, v1  }
0x1a3: {  	vm9 =	veq.f32 v7, v12;
	v35 =	vsel vm8, $0x40C00000, v34  }
0x1a4: {  	vm10 =	veq.f32 v6, v12;
	v7 =	vsel vm9, $0x40A00000, v35  }
0x1a5: {  	vm11 =	veq.f32 v5, v12;
	v7 =	vsel vm10, $0x40800000, v7  }
0x1a6: {  	vm12 =	veq.f32 v4, v12;
	v39 =	vsel vm11, $0x40400000, v7  }
0x1a7: {  	vm13 =	veq.f32 v3, v12;
	v3 =	vcvt.s32.f32 v11;
	v40 =	vsel vm12, $0x40000000, v39  }
0x1a8: {  	vm14 =	veq.f32 v2, v12;
	v2 =	vsel vm13, $0x3F800000, v40;
	v36 =	vpop (erf)  }
0x1a9: {  	[tilespmem:s18+$0x2420] =	vst v3;
	v2 =	vsel vm14, $0x0, v2;
	v37 =	vmul.f32 v36, v9  }
0x1aa: {  	[tilespmem:s18+$0x2820] =	vst v2;
	v38 =	vmul.f32 v36, v33  }
0x1ab: {  	[tilespmem:s18+$0x1C20] =	vst v37  }
0x1ac: {  	[tilespmem:s18+$0x2020] =	vst v38  }
0x1ad: {  	v2 =	vld [tilespmem:s17+$0xFFFFFE70]  }
0x1ae: {  	v3 =	vld [tilespmem:s17+$0xFFFFFEF0]  }
0x1af: {  	v4 =	vld [tilespmem:s17+$0xFFFFFF70]  }
0x1b0: {  	v41 =	vld [tilespmem:s17+$0xFFFFFFF0]  }
0x1b1: {  	v42 =	vld [tilespmem:s17+$0x70]  }
0x1b2: {  	v43 =	vld [tilespmem:s17+$0xF0]  }
0x1b3: {  	v44 =	vld [tilespmem:s17+$0x170];
	v45 =	vmax.f32 v2, v3  }
0x1b4: {  	v46 =	vld [tilespmem:s17+$0x1F0];
	v9 =	vmax.f32 v45, v4  }
0x1b5: {  	v9 =	vmax.f32 v9, v41  }
0x1b6: {  	v9 =	vmax.f32 v9, v42  }
0x1b7: {  	v9 =	vmax.f32 v9, v43  }
0x1b8: {  	v9 =	vmax.f32 v9, v44  }
0x1b9: {  	v9 =	vmax.f32 v9, v46  }
0x1ba: {  	vm15 =	veq.f32 v46, v9  }
0x1bb: {  	vm4 =	veq.f32 v44, v9;
	v47 =	vsel vm15, $0x7, v0  }
0x1bc: {  	vm5 =	veq.f32 v43, v9;
	v11 =	vsel vm4, $0x6, v47  }
0x1bd: {  	vm6 =	veq.f32 v42, v9;
	v11 =	vsel vm5, $0x5, v11  }
0x1be: {  	vm7 =	veq.f32 v41, v9;
	v11 =	vsel vm6, $0x4, v11  }
0x1bf: {  	vm8 =	veq.f32 v4, v9;
	v48 =	vand.u32 $0x7FFFFFFF, v9;
	v11 =	vsel vm7, $0x3, v11  }
0x1c0: {  	vm9 =	veq.f32 v3, v9;
	v12 =	vsub.f32 $0.0e+00, v48;
	v11 =	vsel vm8, $0x2, v11  }
0x1c1: {  	vm10 =	vne.f32 v2, v9;
	v11 =	vsel vm9, $0x1, v11  }
0x1c2: {  	vm0 =	vmand vm10, vm9;
	v12 =	vmul.f32 $1.442695020e+00, v12;
	v11 =	vnsel vm10, $0x0, v11  }
0x1c3: {  	v3 =	vsel vm0, $0xFF800000, v3;
	vm11 =	veq.s32 v11, $0x0  }
0x1c4: {  	(erf) = vpow2.f32 v12;
	vm12 =	veq.s32 v11, $0x2;
	v2 =	vsel vm11, $0xFF800000, v2  }
0x1c5: {  	vm13 =	veq.s32 v11, $0x3;
	v4 =	vsel vm12, $0xFF800000, v4;
	v49 =	vmax.f32 v2, v3  }
0x1c6: {  	vm14 =	veq.s32 v11, $0x4;
	v5 =	vsel vm13, $0xFF800000, v41;
	v12 =	vmax.f32 v49, v4  }
0x1c7: {  	vm15 =	veq.s32 v11, $0x5;
	v6 =	vsel vm14, $0xFF800000, v42;
	v12 =	vmax.f32 v12, v5  }
0x1c8: {  	vm4 =	veq.s32 v11, $0x6;
	v7 =	vsel vm15, $0xFF800000, v43;
	v12 =	vmax.f32 v12, v6  }
0x1c9: {  	vm5 =	veq.s32 v11, $0x7;
	v8 =	vsel vm4, $0xFF800000, v44;
	v12 =	vmax.f32 v12, v7  }
0x1ca: {  	v10 =	vsel vm5, $0xFF800000, v46;
	v12 =	vmax.f32 v12, v8  }
0x1cb: {  	v12 =	vmax.f32 v12, v10  }
0x1cc: {  	v50 =	vand.u32 $0x7FFFFFFF, v12  }
0x1cd: {  	v51 =	vpop (erf);
	v13 =	vsub.f32 $0.0e+00, v50  }
0x1ce: {  	v52 =	vadd.f32 $1.000000000e+00, v51  }
0x1cf: {  	v13 =	vmul.f32 $1.442695020e+00, v13  }
0x1d0: {  	(erf) = vrcp.f32 v52  }
0x1d1: {  	(erf) = vpow2.f32 v13;
	_ =	sdelay $0x7  }
0x1d2: {  	v53 =	vpop (erf)  }
0x1d3: {  	v54 =	vpop (erf)  }
0x1d4: {  	v55 =	vadd.f32 $1.000000000e+00, v54;
	_ =	sdelay $0x1  }
0x1d5: {  	(erf) = vrcp.f32 v55;
	_ =	sdelay $0x8  }
0x1d6: {  	v16 =	vpop (erf)  }
0x1d7: {  	v14 =	vmul.f32 v53, v51;
	v15 =	vmul.f32 v16, v54  }
0x1d8: {  	vm6 =	vge.f32 v9, $0.0e+00;
	vm7 =	vge.f32 v12, $0.0e+00  }
0x1d9: {  	v9 =	vsel vm6, v53, v14;
	v56 =	vsel vm7, v16, v15  }
0x1da: {  	v14 =	vadd.f32 v56, v9;
	_ =	sdelay $0x1  }
0x1db: {  	(erf) = vrcp.f32 v14;
	_ =	sdelay $0x1  }
0x1dc: {  	vm8 =	veq.f32 v10, v12  }
0x1dd: {  	vm9 =	veq.f32 v8, v12;
	v57 =	vsel vm8, $0x40E00000, v1  }
0x1de: {  	vm10 =	veq.f32 v7, v12;
	v58 =	vsel vm9, $0x40C00000, v57  }
0x1df: {  	vm11 =	veq.f32 v6, v12;
	v7 =	vsel vm10, $0x40A00000, v58  }
0x1e0: {  	vm12 =	veq.f32 v5, v12;
	v7 =	vsel vm11, $0x40800000, v7  }
0x1e1: {  	vm13 =	veq.f32 v4, v12;
	v62 =	vsel vm12, $0x40400000, v7  }
0x1e2: {  	p0 =	sne.s32 s16, $0x1F00;
	vm14 =	veq.f32 v3, v12;
	v3 =	vcvt.s32.f32 v11;
	v63 =	vsel vm13, $0x40000000, v62  }
.Ltmp0:
0x1e3: {  	vm15 =	veq.f32 v2, v12;
	v2 =	vsel vm14, $0x3F800000, v63;
	v59 =	vpop (erf);
	(pc) =	sbr.rel @p0 .LBB2_2-.Ltmp0, $4  }
0x1e4: {  	[tilespmem:s18+$0x2430] =	vst v3;
	v2 =	vsel vm15, $0x0, v2;
	v60 =	vmul.f32 v59, v9  }
0x1e5: {  	[tilespmem:s18+$0x2830] =	vst v2;
	v61 =	vmul.f32 v59, v56  }
0x1e6: {  	[tilespmem:s18+$0x1C30] =	vst v60  }
0x1e7: {  	s16 =	sadd.s32 $0x200, s16;
	s17 =	sadd.s32 $0x400, s17;
	[tilespmem:s18+$0x2030] =	vst v61  }
0x1e8: {  	[hbm4b:s4+s2] =	stream.linear.scatter [tilespmem:s10], [sflag:$0x1], $0x400, $0x38;
	[tilespmem:$0x3000] =	vst v63  }
0x1e9: {  	_ = 	snop  }
0x1ea: {  	[hbm4b:s5+s2] =	stream.linear.scatter [tilespmem:s11], [sflag:$0x1], $0x400, $0x38;
	[tilespmem:$0x3000] =	vst v63  }
0x1eb: {  	_ = 	snop  }
0x1ec: {  	[hbm4b:s6+s2] =	stream.linear.scatter [tilespmem:s12], [sflag:$0x1], $0x400, $0x38;
	[tilespmem:$0x3000] =	vst v63  }
0x1ed: {  	_ = 	snop  }
0x1ee: {  	[hbm4b:s7+s2] =	stream.linear.scatter [tilespmem:s13], [sflag:$0x1], $0x400, $0x38;
	[tilespmem:$0x3000] =	vst v63  }
0x1ef: {  	_ =	swait.ge [sflag:s14], $0x400  }
0x1f0: {  	[sflag:s14] =	ssyncset.done $0x0  }
0x1f1: {  	[sflag:s14] =	ssyncadd.s32 $0xFFFFFC00  }
0x1f2: {  	_ =	swait.ge [sflag:s14], $0x400  }
0x1f3: {  	[sflag:s14] =	ssyncset.done $0x0  }
0x1f4: {  	s15 =	sadd.s32 $0x1, s15;
	[sflag:s14] =	ssyncadd.s32 $0xFFFFFC00  }
0x1f5: {  	p0 =	sne.s32 s15, s8;
	_ =	swait.ge [sflag:s14], $0x400  }
.Ltmp1:
0x1f6: {  	[sflag:s14] =	ssyncset.done $0x0;
	(pc) =	sbr.rel @p0 .LBB2_1-.Ltmp1, $4  }
0x1f7: {  	[sflag:s14] =	ssyncadd.s32 $0xFFFFFC00  }
0x1f8: {  	_ =	swait.ge [sflag:s14], $0x400  }
0x1f9: {  	[sflag:s14] =	ssyncset.done $0x0  }
0x1fa: {  	[sflag:s14] =	ssyncadd.s32 $0xFFFFFC00  }
0x1fb: {  	_ =	sfence.sel $0x180000  }
0x1fc: {  	[bflag:$0x0] =	sbarrier.arrive $0xFFFF  }
0x1fd: {  	p0 =	sne.s32 s1, $0x0;
	_ =	strace $0x90000047  }
0x1fe: {  	s0 =	sadd.s32 @!p0 $0x100000, s0;
	[bflag:$0x2] =	sbarrier.arrive $0xFFFF  }
0x1ff: {  	[sflag:s0] =	ssyncadd.tile.s32 @!p0 $0x1;
	_ =	shalt  }
.Lfunc_end2:
_tile_overlayer_lowered:
.L_overlay_start_2:
0x200: {  	(tag) =	ssettag $0x2  }
0x201: {  	s0 =	rddreg [dreg:$0x0];
	s2 =	stileid.u32  }
0x202: {  	s1 =	rddreg [dreg:$0x1];
	p0 =	sne.s32 s2, $0x0  }
0x203: {  	s3 =	rddreg [dreg:$0x2];
	[bflag:$0x3] =	sbarrier.arrive $0xFFFF;
	s2 =	simm.s32 @!p0 $0x1C02  }
0x204: {  	[timem:s3], [sflag:s2] =	dma.local @!p0 [hbm:s0], s1  }
0x205: {  	s0 =	simm.s32 @!p0 $0x2  }
0x206: {  	_ =	swait.ge @!p0 [sflag:s0], s1  }
0x207: {  	s1 =	ssub.s32 @!p0 $0x0, s1;
	[sflag:s0] =	ssyncset.done @!p0 $0x0  }
0x208: {  	[sflag:s0] =	ssyncadd.s32 @!p0 s1  }
0x209: {  	[bflag:$0x3] =	sbarrier.arrive $0xFFFF  }
0x20a: {  	_ =	shalt  }

</sc_bundles>
